<compile_context>
chip_gen: v7x
topology: tpu7x:2x2x1
jax: 0.10.2.dev20260603
libtpu: 0.0.44.dev20260713+nightly
codegen_flags: <defaults>
</compile_context>

<pallas_src>
import jax
import jax.numpy as jnp
from jax import lax
from jax.experimental import pallas as pl
from jax.experimental.pallas import tpu as pltpu
from jax.experimental.pallas import tpu_sc as plsc

_N_NODES = 50000
_N_EDGES = 1600000
_N_GRAPHS = 16
_N_STARTS = 64
_LANES = 16
_NUM_TILES = 32
_CHUNK = 6400
_N_CHUNKS = _N_EDGES // _CHUNK
_ROUNDS = -(-_N_CHUNKS // _NUM_TILES)
_START_BIT = 1 << 30
_GID_MASK = _START_BIT - 1


def _body(scores, ei, batch, gid, starts, ct, pt, stc, out,
          table_v, starts_v, ct_v, pt_v, st_v,
          ei_v0, b_v0, sc_v0, ei_v1, b_v1, sc_v1, o_v0, o_v1,
          sem0, sem1, osem0, osem1):
    wid = lax.axis_index("s") * 2 + lax.axis_index("c")

    def issue(c, ei_v, b_v, sc_v, sem):
        chunk_id = wid + c * _NUM_TILES

        @pl.when(chunk_id < _N_CHUNKS)
        def _():
            base = pl.multiple_of(chunk_id * _CHUNK, _CHUNK)
            pltpu.async_copy(scores.at[pl.ds(base, _CHUNK)], sc_v, sem)
            pltpu.async_copy(ei.at[:, pl.ds(base, _CHUNK)], ei_v, sem)
            pltpu.async_copy(batch.at[pl.ds(base, _CHUNK)], b_v, sem)

    p0 = pltpu.async_copy(gid, table_v, osem0)
    p1 = pltpu.async_copy(starts, starts_v, osem0)
    p2 = pltpu.async_copy(ct, ct_v, osem0)
    p3 = pltpu.async_copy(pt, pt_v, osem0)
    p4 = pltpu.async_copy(stc, st_v, osem0)
    issue(0, ei_v0, b_v0, sc_v0, sem0)
    p0.wait()
    p1.wait()
    p2.wait()
    p3.wait()
    p4.wait()

    for j in range(_N_STARTS // _LANES):
        sidx = starts_v[pl.ds(j * _LANES, _LANES)]
        cur = plsc.load_gather(table_v, [sidx])
        plsc.store_scatter(table_v, [sidx], cur | _START_BIT)

    ctv0 = ct_v[pl.ds(0, _LANES)]
    sv0 = st_v[pl.ds(0, _LANES)]
    is0 = sv0 == 0
    ct_v[pl.ds(0, _LANES)] = jnp.where(is0, _START_BIT | _GID_MASK, ctv0)

    def process(c, ei_v, b_v, sc_v, sem, n_ei, n_b, n_sc, n_sem, o_v, osem):
        chunk_id = wid + c * _NUM_TILES

        @pl.when(chunk_id < _N_CHUNKS)
        def _():
            base = pl.multiple_of(chunk_id * _CHUNK, _CHUNK)
            issue(c + 1, n_ei, n_b, n_sc, n_sem)
            pltpu.make_async_copy(scores.at[pl.ds(0, _CHUNK)], sc_v, sem).wait()
            pltpu.make_async_copy(ei.at[:, pl.ds(0, _CHUNK)], ei_v, sem).wait()
            pltpu.make_async_copy(batch.at[pl.ds(0, _CHUNK)], b_v, sem).wait()

            @pl.when(chunk_id >= 2 * _NUM_TILES)
            def _():
                pltpu.make_async_copy(
                    o_v, out.at[pl.ds(0, _CHUNK)], osem).wait()

            def emit(off, ctv, ptv):
                h = ei_v[0, pl.ds(off, _LANES)]
                t = ei_v[1, pl.ds(off, _LANES)]
                sc = sc_v[pl.ds(off, _LANES)]
                hv = plsc.load_gather(table_v, [h])
                tv = plsc.load_gather(table_v, [t])
                cm = ctv & _GID_MASK
                hm = hv & _GID_MASK
                tm = tv & _GID_MASK
                hc = hm == cm
                tc = tm == cm
                hp = hm == ptv
                tp = tm == ptv
                valid = (hc | tc) & jnp.logical_not((hc & tp) | (tc & hp))
                is_start = ((hv | tv) & _START_BIT) != 0
                mask = jnp.where(ctv >= _START_BIT, is_start, valid)
                o_v[pl.ds(off, _LANES)] = jnp.where(mask, sc,
                                                    jnp.float32(-1e9))

            b0 = b_v[pl.ds(0, _LANES)]
            bl = b_v[pl.ds(_CHUNK - _LANES, _LANES)]
            uniform = jnp.all(b0 == bl)

            @pl.when(uniform)
            def _():
                ctv = plsc.load_gather(ct_v, [b0])
                ptv = plsc.load_gather(pt_v, [b0])

                @plsc.parallel_loop(0, _CHUNK, _LANES, unroll=5)
                def vec_body(off):
                    emit(off, ctv, ptv)

            @pl.when(jnp.logical_not(uniform))
            def _():
                @plsc.parallel_loop(0, _CHUNK, _LANES, unroll=2)
                def vec_body(off):
                    b = b_v[pl.ds(off, _LANES)]
                    emit(off, plsc.load_gather(ct_v, [b]),
                         plsc.load_gather(pt_v, [b]))

            pltpu.async_copy(o_v, out.at[pl.ds(base, _CHUNK)], osem)


    def superstep(g, carry):
        c = 2 * g
        process(c, ei_v0, b_v0, sc_v0, sem0,
                ei_v1, b_v1, sc_v1, sem1, o_v0, osem0)
        process(c + 1, ei_v1, b_v1, sc_v1, sem1,
                ei_v0, b_v0, sc_v0, sem0, o_v1, osem1)
        return carry

    lax.fori_loop(0, _ROUNDS // 2, superstep, 0)

    pltpu.make_async_copy(o_v0, out.at[pl.ds(0, _CHUNK)], osem0).wait()
    pltpu.make_async_copy(o_v1, out.at[pl.ds(0, _CHUNK)], osem1).wait()


def kernel(edge_scores, edge_index, edge_batch, node_global_ids,
           start_node_locals, current_tail, prev_tail, step_counts):
    mesh = plsc.VectorSubcoreMesh(core_axis_name="c", subcore_axis_name="s")
    run = pl.kernel(
        _body,
        mesh=mesh,
        compiler_params=pltpu.CompilerParams(needs_layout_passes=False),
        out_type=jax.ShapeDtypeStruct((_N_EDGES,), jnp.float32),
        scratch_types=[
            pltpu.VMEM((_N_NODES,), jnp.int32),
            pltpu.VMEM((_N_STARTS,), jnp.int32),
            pltpu.VMEM((_N_GRAPHS,), jnp.int32),
            pltpu.VMEM((_N_GRAPHS,), jnp.int32),
            pltpu.VMEM((_N_GRAPHS,), jnp.int32),
            pltpu.VMEM((2, _CHUNK), jnp.int32),
            pltpu.VMEM((_CHUNK,), jnp.int32),
            pltpu.VMEM((_CHUNK,), jnp.float32),
            pltpu.VMEM((2, _CHUNK), jnp.int32),
            pltpu.VMEM((_CHUNK,), jnp.int32),
            pltpu.VMEM((_CHUNK,), jnp.float32),
            pltpu.VMEM((_CHUNK,), jnp.float32),
            pltpu.VMEM((_CHUNK,), jnp.float32),
            pltpu.SemaphoreType.DMA,
            pltpu.SemaphoreType.DMA,
            pltpu.SemaphoreType.DMA,
            pltpu.SemaphoreType.DMA,
        ],
    )
    return run(edge_scores, edge_index, edge_batch, node_global_ids,
               start_node_locals, current_tail, prev_tail, step_counts)

# --- scband reference (transcript-rebuilt; emitter-appended) ---
"""Pipeline reference for scband-graph-env-15144054686267 (READ-ONLY COPY).

The authoritative reference and input builder live on the scoring server;
editing this copy changes nothing except your own understanding.
"""

import jax, jax.numpy as jnp
import numpy as np

N_NODES = 50000
N_EDGES = 1600000
N_GRAPHS = 16
N_STARTS = 64
VOCAB = 1000000


def setup_inputs(seed: int = 0) -> dict:
    key = jax.random.key(seed)
    k = jax.random.split(key, 8)
    edge_scores = jax.random.normal(k[7], (N_EDGES,), dtype=jnp.float32)
    edge_index = jax.random.randint(k[0], (2, N_EDGES), 0, N_NODES)
    edge_batch = jnp.sort(jax.random.randint(k[1], (N_EDGES,), 0, N_GRAPHS))
    node_global_ids = jax.random.randint(k[2], (N_NODES,), 0, VOCAB)
    start_node_locals = jax.random.randint(k[3], (N_STARTS,), 0, N_NODES)
    current_tail = jax.random.randint(k[4], (N_GRAPHS,), 0, VOCAB)
    prev_tail = jax.random.randint(k[5], (N_GRAPHS,), 0, VOCAB)
    step_counts = jax.random.randint(k[6], (N_GRAPHS,), 0, 3)
    return {
        "edge_scores": edge_scores,
        "edge_index": edge_index,
        "edge_batch": edge_batch,
        "node_global_ids": node_global_ids,
        "start_node_locals": start_node_locals,
        "current_tail": current_tail,
        "prev_tail": prev_tail,
        "step_counts": step_counts,
    }


def reference(edge_scores, edge_index, edge_batch, node_global_ids,
              start_node_locals, current_tail, prev_tail, step_counts):
    # GraphEnv.reset: precompute edge_starts_mask via scatter-set + gather
    num_nodes = node_global_ids.shape[0]
    node_is_start = jnp.zeros((num_nodes,), dtype=bool).at[start_node_locals].set(True)
    heads = edge_index[0]
    tails = edge_index[1]
    edge_starts_mask = node_is_start[heads] | node_is_start[tails]

    # GraphEnv.action_mask_edges (forbid_backtrack=True)
    heads_global = node_global_ids[heads]
    tails_global = node_global_ids[tails]
    ct = current_tail[edge_batch]
    valid_next = (heads_global == ct) | (tails_global == ct)
    pt = prev_tail[edge_batch]
    is_backtrack = ((heads_global == ct) & (tails_global == pt)) | \
                   ((tails_global == ct) & (heads_global == pt))
    valid_next = valid_next & (~is_backtrack)
    is_step0 = step_counts[edge_batch] == 0
    edge_mask = jnp.where(is_step0, edge_starts_mask, valid_next)

    # masked edge logits used downstream for action selection
    masked_scores = jnp.where(edge_mask, edge_scores, jnp.float32(-1e9))
    return masked_scores

if __name__ == "__main__":
    import jax
    _d = setup_inputs()
    print(jax.jit(kernel)(*tuple(_d.values())))

</pallas_src>

<mosaic_0001>
#map = affine_map<(d0, d1) -> (0)>
#map1 = affine_map<(d0, d1) -> (0, 0)>
module attributes {stable_mosaic.version = 14 : i64} {
  func.func @_body(%arg0: i32, %arg1: i32, %arg2: memref<1600000xf32, #tpu.memory_space<hbm>>, %arg3: memref<2x1600000xi32, #tpu.memory_space<hbm>>, %arg4: memref<1600000xi32, #tpu.memory_space<hbm>>, %arg5: memref<50000xi32, #tpu.memory_space<hbm>>, %arg6: memref<64xi32, #tpu.memory_space<hbm>>, %arg7: memref<16xi32, #tpu.memory_space<hbm>>, %arg8: memref<16xi32, #tpu.memory_space<hbm>>, %arg9: memref<16xi32, #tpu.memory_space<hbm>>, %arg10: memref<1600000xf32, #tpu.memory_space<hbm>>, %arg11: memref<50000xi32, #tpu.memory_space<vmem>>, %arg12: memref<64xi32, #tpu.memory_space<vmem>>, %arg13: memref<16xi32, #tpu.memory_space<vmem>>, %arg14: memref<16xi32, #tpu.memory_space<vmem>>, %arg15: memref<16xi32, #tpu.memory_space<vmem>>, %arg16: memref<2x6400xi32, #tpu.memory_space<vmem>>, %arg17: memref<6400xi32, #tpu.memory_space<vmem>>, %arg18: memref<6400xf32, #tpu.memory_space<vmem>>, %arg19: memref<2x6400xi32, #tpu.memory_space<vmem>>, %arg20: memref<6400xi32, #tpu.memory_space<vmem>>, %arg21: memref<6400xf32, #tpu.memory_space<vmem>>, %arg22: memref<6400xf32, #tpu.memory_space<vmem>>, %arg23: memref<6400xf32, #tpu.memory_space<vmem>>, %arg24: memref<!tpu.dma_semaphore, #tpu.memory_space<semaphore_mem>>, %arg25: memref<!tpu.dma_semaphore, #tpu.memory_space<semaphore_mem>>, %arg26: memref<!tpu.dma_semaphore, #tpu.memory_space<semaphore_mem>>, %arg27: memref<!tpu.dma_semaphore, #tpu.memory_space<semaphore_mem>>) attributes {dimension_semantics = [#tpu.dimension_semantics<core_parallel>, #tpu.dimension_semantics<subcore_parallel>], iteration_bounds = array<i64: 2, 16>, scalar_prefetch = 0 : i64, scratch_operands = 17 : i64, tpu.core_type = #tpu.core_type<sc_vector_subcore>, window_params = [{transform_indices = #map}, {transform_indices = #map1}, {transform_indices = #map}, {transform_indices = #map}, {transform_indices = #map}, {transform_indices = #map}, {transform_indices = #map}, {transform_indices = #map}, {transform_indices = #map}]} {
    %mul3A = arith.constant 2 : i32
    %mul3A_0 = arith.muli %arg1, %mul3A : i32
    %add3A = arith.addi %mul3A_0, %arg0 : i32
    tpu.enqueue_dma source(%arg5 : memref<50000xi32, #tpu.memory_space<hbm>>) target(%arg11 : memref<50000xi32, #tpu.memory_space<vmem>>) target_semaphore(%arg26 : memref<!tpu.dma_semaphore, #tpu.memory_space<semaphore_mem>>)
    tpu.enqueue_dma source(%arg6 : memref<64xi32, #tpu.memory_space<hbm>>) target(%arg12 : memref<64xi32, #tpu.memory_space<vmem>>) target_semaphore(%arg26 : memref<!tpu.dma_semaphore, #tpu.memory_space<semaphore_mem>>)
    tpu.enqueue_dma source(%arg7 : memref<16xi32, #tpu.memory_space<hbm>>) target(%arg13 : memref<16xi32, #tpu.memory_space<vmem>>) target_semaphore(%arg26 : memref<!tpu.dma_semaphore, #tpu.memory_space<semaphore_mem>>)
    tpu.enqueue_dma source(%arg8 : memref<16xi32, #tpu.memory_space<hbm>>) target(%arg14 : memref<16xi32, #tpu.memory_space<vmem>>) target_semaphore(%arg26 : memref<!tpu.dma_semaphore, #tpu.memory_space<semaphore_mem>>)
    tpu.enqueue_dma source(%arg9 : memref<16xi32, #tpu.memory_space<hbm>>) target(%arg15 : memref<16xi32, #tpu.memory_space<vmem>>) target_semaphore(%arg26 : memref<!tpu.dma_semaphore, #tpu.memory_space<semaphore_mem>>)
    %add3A_1 = arith.constant 0 : i32
    %add3A_2 = arith.addi %add3A, %add3A_1 : i32
    %lt3A = arith.constant 250 : i32
    %lt3A_3 = arith.cmpi slt, %add3A_2, %lt3A : i32
    %convert_element_type3A = arith.extui %lt3A_3 : i1 to i32
    %cond3A = arith.constant 0 : i32
    %cond3A_4 = arith.cmpi ne, %convert_element_type3A, %cond3A : i32
    scf.if %cond3A_4 {
      %mul3A_45 = arith.constant 6400 : i32
      %mul3A_46 = arith.muli %add3A_2, %mul3A_45 : i32
      %multiple_of3A = tpu.assume_multiple %mul3A_46, 6400 : i32
      %dma_start3A = tpu.memref_slice %arg2[%multiple_of3A] : memref<1600000xf32, #tpu.memory_space<hbm>> -> memref<6400xf32, #tpu.memory_space<hbm>>
      %dma_start3A_47 = tpu.memref_slice %arg2[%multiple_of3A] : memref<1600000xf32, #tpu.memory_space<hbm>> -> memref<6400xf32, #tpu.memory_space<hbm>>
      tpu.enqueue_dma source(%dma_start3A_47 : memref<6400xf32, #tpu.memory_space<hbm>>) target(%arg18 : memref<6400xf32, #tpu.memory_space<vmem>>) target_semaphore(%arg24 : memref<!tpu.dma_semaphore, #tpu.memory_space<semaphore_mem>>)
      %dma_start3A_48 = arith.constant 0 : i32
      %dma_start3A_49 = tpu.memref_slice %arg3[%dma_start3A_48, %multiple_of3A] : memref<2x1600000xi32, #tpu.memory_space<hbm>> -> memref<2x6400xi32, #tpu.memory_space<hbm>>
      %dma_start3A_50 = arith.constant 0 : i32
      %dma_start3A_51 = tpu.memref_slice %arg3[%dma_start3A_50, %multiple_of3A] : memref<2x1600000xi32, #tpu.memory_space<hbm>> -> memref<2x6400xi32, #tpu.memory_space<hbm>>
      tpu.enqueue_dma source(%dma_start3A_51 : memref<2x6400xi32, #tpu.memory_space<hbm>>) target(%arg16 : memref<2x6400xi32, #tpu.memory_space<vmem>>) target_semaphore(%arg24 : memref<!tpu.dma_semaphore, #tpu.memory_space<semaphore_mem>>)
      %dma_start3A_52 = tpu.memref_slice %arg4[%multiple_of3A] : memref<1600000xi32, #tpu.memory_space<hbm>> -> memref<6400xi32, #tpu.memory_space<hbm>>
      %dma_start3A_53 = tpu.memref_slice %arg4[%multiple_of3A] : memref<1600000xi32, #tpu.memory_space<hbm>> -> memref<6400xi32, #tpu.memory_space<hbm>>
      tpu.enqueue_dma source(%dma_start3A_53 : memref<6400xi32, #tpu.memory_space<hbm>>) target(%arg17 : memref<6400xi32, #tpu.memory_space<vmem>>) target_semaphore(%arg24 : memref<!tpu.dma_semaphore, #tpu.memory_space<semaphore_mem>>)
    } else {
    }
    tpu.wait_dma2 semaphore(%arg26 : memref<!tpu.dma_semaphore, #tpu.memory_space<semaphore_mem>>) src(%arg5 : memref<50000xi32, #tpu.memory_space<hbm>>) dst(%arg11 : memref<50000xi32, #tpu.memory_space<vmem>>)
    tpu.wait_dma2 semaphore(%arg26 : memref<!tpu.dma_semaphore, #tpu.memory_space<semaphore_mem>>) src(%arg6 : memref<64xi32, #tpu.memory_space<hbm>>) dst(%arg12 : memref<64xi32, #tpu.memory_space<vmem>>)
    tpu.wait_dma2 semaphore(%arg26 : memref<!tpu.dma_semaphore, #tpu.memory_space<semaphore_mem>>) src(%arg7 : memref<16xi32, #tpu.memory_space<hbm>>) dst(%arg13 : memref<16xi32, #tpu.memory_space<vmem>>)
    tpu.wait_dma2 semaphore(%arg26 : memref<!tpu.dma_semaphore, #tpu.memory_space<semaphore_mem>>) src(%arg8 : memref<16xi32, #tpu.memory_space<hbm>>) dst(%arg14 : memref<16xi32, #tpu.memory_space<vmem>>)
    tpu.wait_dma2 semaphore(%arg26 : memref<!tpu.dma_semaphore, #tpu.memory_space<semaphore_mem>>) src(%arg9 : memref<16xi32, #tpu.memory_space<hbm>>) dst(%arg15 : memref<16xi32, #tpu.memory_space<vmem>>)
    %get3A = arith.constant 0 : index
    %get3A_5 = tpu.vector_load %arg12[%get3A] {strides = array<i32>} : memref<64xi32, #tpu.memory_space<vmem>>, vector<16xi32>,
    %gather3A = tpu.vector_load_idx %arg11[%get3A_5] : memref<50000xi32, #tpu.memory_space<vmem>>[vector<16xi32>], vector<16xi32>,
    %or3A = arith.constant 1073741824 : i32
    %or3A_6 = vector.broadcast %or3A : i32 to vector<16xi32>
    %or3A_7 = arith.ori %gather3A, %or3A_6 : vector<16xi32>
    tpu.vector_store_idx %arg11[%get3A_5], %or3A_7 : memref<50000xi32, #tpu.memory_space<vmem>>[vector<16xi32>], vector<16xi32>,
    %get3A_8 = arith.constant 16 : index
    %get3A_9 = tpu.vector_load %arg12[%get3A_8] {strides = array<i32>} : memref<64xi32, #tpu.memory_space<vmem>>, vector<16xi32>,
    %gather3A_10 = tpu.vector_load_idx %arg11[%get3A_9] : memref<50000xi32, #tpu.memory_space<vmem>>[vector<16xi32>], vector<16xi32>,
    %or3A_11 = arith.constant 1073741824 : i32
    %or3A_12 = vector.broadcast %or3A_11 : i32 to vector<16xi32>
    %or3A_13 = arith.ori %gather3A_10, %or3A_12 : vector<16xi32>
    tpu.vector_store_idx %arg11[%get3A_9], %or3A_13 : memref<50000xi32, #tpu.memory_space<vmem>>[vector<16xi32>], vector<16xi32>,
    %get3A_14 = arith.constant 32 : index
    %get3A_15 = tpu.vector_load %arg12[%get3A_14] {strides = array<i32>} : memref<64xi32, #tpu.memory_space<vmem>>, vector<16xi32>,
    %gather3A_16 = tpu.vector_load_idx %arg11[%get3A_15] : memref<50000xi32, #tpu.memory_space<vmem>>[vector<16xi32>], vector<16xi32>,
    %or3A_17 = arith.constant 1073741824 : i32
    %or3A_18 = vector.broadcast %or3A_17 : i32 to vector<16xi32>
    %or3A_19 = arith.ori %gather3A_16, %or3A_18 : vector<16xi32>
    tpu.vector_store_idx %arg11[%get3A_15], %or3A_19 : memref<50000xi32, #tpu.memory_space<vmem>>[vector<16xi32>], vector<16xi32>,
    %get3A_20 = arith.constant 48 : index
    %get3A_21 = tpu.vector_load %arg12[%get3A_20] {strides = array<i32>} : memref<64xi32, #tpu.memory_space<vmem>>, vector<16xi32>,
    %gather3A_22 = tpu.vector_load_idx %arg11[%get3A_21] : memref<50000xi32, #tpu.memory_space<vmem>>[vector<16xi32>], vector<16xi32>,
    %or3A_23 = arith.constant 1073741824 : i32
    %or3A_24 = vector.broadcast %or3A_23 : i32 to vector<16xi32>
    %or3A_25 = arith.ori %gather3A_22, %or3A_24 : vector<16xi32>
    tpu.vector_store_idx %arg11[%get3A_21], %or3A_25 : memref<50000xi32, #tpu.memory_space<vmem>>[vector<16xi32>], vector<16xi32>,
    %get3A_26 = arith.constant 0 : index
    %get3A_27 = tpu.vector_load %arg13[%get3A_26] {strides = array<i32>} : memref<16xi32, #tpu.memory_space<vmem>>, vector<16xi32>,
    %get3A_28 = arith.constant 0 : index
    %get3A_29 = tpu.vector_load %arg15[%get3A_28] {strides = array<i32>} : memref<16xi32, #tpu.memory_space<vmem>>, vector<16xi32>,
    %eq3A = arith.constant 0 : i32
    %eq3A_30 = vector.broadcast %eq3A : i32 to vector<16xi32>
    %eq3A_31 = arith.cmpi eq, %get3A_29, %eq3A_30 : vector<16xi32>
    %jit3A = arith.constant 2147483647 : i32
    %broadcast_in_dim3A = vector.broadcast %jit3A : i32 to vector<16xi32>
    %select_n3A = arith.select %eq3A_31, %broadcast_in_dim3A, %get3A_27 : vector<16xi1>, vector<16xi32>
    %swap3A = arith.constant 0 : index
    %swap3A_32 = tpu.vector_load %arg13[%swap3A] {strides = array<i32>} : memref<16xi32, #tpu.memory_space<vmem>>, vector<16xi32>,
    tpu.vector_store %arg13[%swap3A], %select_n3A {strides = array<i32>} : memref<16xi32, #tpu.memory_space<vmem>>, vector<16xi32>,
    %scan3A = arith.constant 0 : i32
    %scan3A_33 = arith.constant 0 : i32
    %scan3A_34 = arith.constant 4 : i32
    %scan3A_35 = arith.addi %scan3A_33, %scan3A_34 : i32
    %scan3A_36 = arith.constant 1 : i32
    scf.for %scan3A_45 = %scan3A_33 to %scan3A_35 step %scan3A_36  : i32 {
      %mul3A_46 = arith.constant 2 : i32
      %mul3A_47 = arith.muli %mul3A_46, %scan3A_45 : i32
      %mul3A_48 = arith.constant 32 : i32
      %mul3A_49 = arith.muli %mul3A_47, %mul3A_48 : i32
      %add3A_50 = arith.addi %add3A, %mul3A_49 : i32
      %lt3A_51 = arith.constant 250 : i32
      %lt3A_52 = arith.cmpi slt, %add3A_50, %lt3A_51 : i32
      %convert_element_type3A_53 = arith.extui %lt3A_52 : i1 to i32
      %cond3A_54 = arith.constant 0 : i32
      %cond3A_55 = arith.cmpi ne, %convert_element_type3A_53, %cond3A_54 : i32
      scf.if %cond3A_55 {
        %mul3A_66 = arith.constant 6400 : i32
        %mul3A_67 = arith.muli %add3A_50, %mul3A_66 : i32
        %multiple_of3A = tpu.assume_multiple %mul3A_67, 6400 : i32
        %add3A_68 = arith.constant 1 : i32
        %add3A_69 = arith.addi %mul3A_47, %add3A_68 : i32
        %mul3A_70 = arith.constant 32 : i32
        %mul3A_71 = arith.muli %add3A_69, %mul3A_70 : i32
        %add3A_72 = arith.addi %add3A, %mul3A_71 : i32
        %lt3A_73 = arith.constant 250 : i32
        %lt3A_74 = arith.cmpi slt, %add3A_72, %lt3A_73 : i32
        %convert_element_type3A_75 = arith.extui %lt3A_74 : i1 to i32
        %cond3A_76 = arith.constant 0 : i32
        %cond3A_77 = arith.cmpi ne, %convert_element_type3A_75, %cond3A_76 : i32
        scf.if %cond3A_77 {
          %mul3A_119 = arith.constant 6400 : i32
          %mul3A_120 = arith.muli %add3A_72, %mul3A_119 : i32
          %multiple_of3A_121 = tpu.assume_multiple %mul3A_120, 6400 : i32
          %dma_start3A_122 = tpu.memref_slice %arg2[%multiple_of3A_121] : memref<1600000xf32, #tpu.memory_space<hbm>> -> memref<6400xf32, #tpu.memory_space<hbm>>
          %dma_start3A_123 = tpu.memref_slice %arg2[%multiple_of3A_121] : memref<1600000xf32, #tpu.memory_space<hbm>> -> memref<6400xf32, #tpu.memory_space<hbm>>
          tpu.enqueue_dma source(%dma_start3A_123 : memref<6400xf32, #tpu.memory_space<hbm>>) target(%arg21 : memref<6400xf32, #tpu.memory_space<vmem>>) target_semaphore(%arg25 : memref<!tpu.dma_semaphore, #tpu.memory_space<semaphore_mem>>)
          %dma_start3A_124 = arith.constant 0 : i32
          %dma_start3A_125 = tpu.memref_slice %arg3[%dma_start3A_124, %multiple_of3A_121] : memref<2x1600000xi32, #tpu.memory_space<hbm>> -> memref<2x6400xi32, #tpu.memory_space<hbm>>
          %dma_start3A_126 = arith.constant 0 : i32
          %dma_start3A_127 = tpu.memref_slice %arg3[%dma_start3A_126, %multiple_of3A_121] : memref<2x1600000xi32, #tpu.memory_space<hbm>> -> memref<2x6400xi32, #tpu.memory_space<hbm>>
          tpu.enqueue_dma source(%dma_start3A_127 : memref<2x6400xi32, #tpu.memory_space<hbm>>) target(%arg19 : memref<2x6400xi32, #tpu.memory_space<vmem>>) target_semaphore(%arg25 : memref<!tpu.dma_semaphore, #tpu.memory_space<semaphore_mem>>)
          %dma_start3A_128 = tpu.memref_slice %arg4[%multiple_of3A_121] : memref<1600000xi32, #tpu.memory_space<hbm>> -> memref<6400xi32, #tpu.memory_space<hbm>>
          %dma_start3A_129 = tpu.memref_slice %arg4[%multiple_of3A_121] : memref<1600000xi32, #tpu.memory_space<hbm>> -> memref<6400xi32, #tpu.memory_space<hbm>>
          tpu.enqueue_dma source(%dma_start3A_129 : memref<6400xi32, #tpu.memory_space<hbm>>) target(%arg20 : memref<6400xi32, #tpu.memory_space<vmem>>) target_semaphore(%arg25 : memref<!tpu.dma_semaphore, #tpu.memory_space<semaphore_mem>>)
        } else {
        }
        %dma_wait3A_78 = arith.constant 0 : i32
        %dma_wait3A_79 = tpu.memref_slice %arg2[%dma_wait3A_78] : memref<1600000xf32, #tpu.memory_space<hbm>> -> memref<6400xf32, #tpu.memory_space<hbm>>
        %dma_wait3A_80 = arith.constant 0 : i32
        %dma_wait3A_81 = tpu.memref_slice %arg2[%dma_wait3A_80] : memref<1600000xf32, #tpu.memory_space<hbm>> -> memref<6400xf32, #tpu.memory_space<hbm>>
        tpu.wait_dma2 semaphore(%arg24 : memref<!tpu.dma_semaphore, #tpu.memory_space<semaphore_mem>>) src(%dma_wait3A_81 : memref<6400xf32, #tpu.memory_space<hbm>>) dst(%arg18 : memref<6400xf32, #tpu.memory_space<vmem>>)
        %dma_wait3A_82 = arith.constant 0 : i32
        %dma_wait3A_83 = arith.constant 0 : i32
        %dma_wait3A_84 = tpu.memref_slice %arg3[%dma_wait3A_82, %dma_wait3A_83] : memref<2x1600000xi32, #tpu.memory_space<hbm>> -> memref<2x6400xi32, #tpu.memory_space<hbm>>
        %dma_wait3A_85 = arith.constant 0 : i32
        %dma_wait3A_86 = arith.constant 0 : i32
        %dma_wait3A_87 = tpu.memref_slice %arg3[%dma_wait3A_85, %dma_wait3A_86] : memref<2x1600000xi32, #tpu.memory_space<hbm>> -> memref<2x6400xi32, #tpu.memory_space<hbm>>
        tpu.wait_dma2 semaphore(%arg24 : memref<!tpu.dma_semaphore, #tpu.memory_space<semaphore_mem>>) src(%dma_wait3A_87 : memref<2x6400xi32, #tpu.memory_space<hbm>>) dst(%arg16 : memref<2x6400xi32, #tpu.memory_space<vmem>>)
        %dma_wait3A_88 = arith.constant 0 : i32
        %dma_wait3A_89 = tpu.memref_slice %arg4[%dma_wait3A_88] : memref<1600000xi32, #tpu.memory_space<hbm>> -> memref<6400xi32, #tpu.memory_space<hbm>>
        %dma_wait3A_90 = arith.constant 0 : i32
        %dma_wait3A_91 = tpu.memref_slice %arg4[%dma_wait3A_90] : memref<1600000xi32, #tpu.memory_space<hbm>> -> memref<6400xi32, #tpu.memory_space<hbm>>
        tpu.wait_dma2 semaphore(%arg24 : memref<!tpu.dma_semaphore, #tpu.memory_space<semaphore_mem>>) src(%dma_wait3A_91 : memref<6400xi32, #tpu.memory_space<hbm>>) dst(%arg17 : memref<6400xi32, #tpu.memory_space<vmem>>)
        %ge3A = arith.constant 64 : i32
        %ge3A_92 = arith.cmpi sge, %add3A_50, %ge3A : i32
        %convert_element_type3A_93 = arith.extui %ge3A_92 : i1 to i32
        %cond3A_94 = arith.constant 0 : i32
        %cond3A_95 = arith.cmpi ne, %convert_element_type3A_93, %cond3A_94 : i32
        scf.if %cond3A_95 {
          %dma_wait3A_119 = arith.constant 0 : i32
          %dma_wait3A_120 = tpu.memref_slice %arg10[%dma_wait3A_119] : memref<1600000xf32, #tpu.memory_space<hbm>> -> memref<6400xf32, #tpu.memory_space<hbm>>
          %dma_wait3A_121 = arith.constant 0 : i32
          %dma_wait3A_122 = tpu.memref_slice %arg10[%dma_wait3A_121] : memref<1600000xf32, #tpu.memory_space<hbm>> -> memref<6400xf32, #tpu.memory_space<hbm>>
          tpu.wait_dma2 semaphore(%arg26 : memref<!tpu.dma_semaphore, #tpu.memory_space<semaphore_mem>>) src(%arg22 : memref<6400xf32, #tpu.memory_space<vmem>>) dst(%dma_wait3A_122 : memref<6400xf32, #tpu.memory_space<hbm>>)
        } else {
        }
        %get3A_96 = arith.constant 0 : index
        %get3A_97 = tpu.vector_load %arg17[%get3A_96] {strides = array<i32>} : memref<6400xi32, #tpu.memory_space<vmem>>, vector<16xi32>,
        %get3A_98 = arith.constant 6384 : index
        %get3A_99 = tpu.vector_load %arg17[%get3A_98] {strides = array<i32>} : memref<6400xi32, #tpu.memory_space<vmem>>, vector<16xi32>,
        %eq3A_100 = arith.cmpi eq, %get3A_97, %get3A_99 : vector<16xi32>
        %reduce_and3A = arith.constant 1.000000e+00 : f32
        %reduce_and3A_101 = arith.constant 0.000000e+00 : f32
        %reduce_and3A_102 = vector.broadcast %reduce_and3A : f32 to vector<16xf32>
        %reduce_and3A_103 = vector.broadcast %reduce_and3A_101 : f32 to vector<16xf32>
        %reduce_and3A_104 = arith.select %eq3A_100, %reduce_and3A_102, %reduce_and3A_103 : vector<16xi1>, vector<16xf32>
        %reduce_and3A_105 = arith.constant true
        %reduce_and3A_106 = vector.broadcast %reduce_and3A_105 : i1 to vector<16xi1>
        %reduce_and3A_107 = tpu.scan <min>, %reduce_and3A_104 masked %reduce_and3A_106 : vector<16xf32>, vector<16xi1> -> vector<16xf32>
        %reduce_and3A_108 = vector.extract %reduce_and3A_107[15] : f32 from vector<16xf32>
        %reduce_and3A_109 = arith.constant 0.000000e+00 : f32
        %reduce_and3A_110 = arith.cmpf ogt, %reduce_and3A_108, %reduce_and3A_109 : f32
        %convert_element_type3A_111 = arith.extui %reduce_and3A_110 : i1 to i32
        %cond3A_112 = arith.constant 0 : i32
        %cond3A_113 = arith.cmpi ne, %convert_element_type3A_111, %cond3A_112 : i32
        scf.if %cond3A_113 {
          %gather3A_119 = tpu.vector_load_idx %arg13[%get3A_97] : memref<16xi32, #tpu.memory_space<vmem>>[vector<16xi32>], vector<16xi32>,
          %gather3A_120 = tpu.vector_load_idx %arg14[%get3A_97] : memref<16xi32, #tpu.memory_space<vmem>>[vector<16xi32>], vector<16xi32>,
          %parallel_loop3A = arith.constant 0 : i32
          %parallel_loop3A_121 = arith.constant 6400 : i32
          %parallel_loop3A_122 = arith.constant 16 : i32
          scf.for %parallel_loop3A_123 = %parallel_loop3A to %parallel_loop3A_121 step %parallel_loop3A_122  : i32 {
            %parallel_loop3A_124 = arith.constant 0 : i32
            %parallel_loop3A_125 = arith.index_cast %parallel_loop3A_124 : i32 to index
            %parallel_loop3A_126 = arith.index_cast %parallel_loop3A_123 : i32 to index
            %parallel_loop3A_127 = tpu.vector_load %arg16[%parallel_loop3A_125, %parallel_loop3A_126] {strides = array<i32>} : memref<2x6400xi32, #tpu.memory_space<vmem>>, vector<16xi32>,
            %parallel_loop3A_128 = arith.constant 1 : i32
            %parallel_loop3A_129 = arith.index_cast %parallel_loop3A_128 : i32 to index
            %parallel_loop3A_130 = arith.index_cast %parallel_loop3A_123 : i32 to index
            %parallel_loop3A_131 = tpu.vector_load %arg16[%parallel_loop3A_129, %parallel_loop3A_130] {strides = array<i32>} : memref<2x6400xi32, #tpu.memory_space<vmem>>, vector<16xi32>,
            %parallel_loop3A_132 = arith.index_cast %parallel_loop3A_123 : i32 to index
            %parallel_loop3A_133 = tpu.vector_load %arg18[%parallel_loop3A_132] {strides = array<i32>} : memref<6400xf32, #tpu.memory_space<vmem>>, vector<16xf32>,
            %parallel_loop3A_134 = tpu.vector_load_idx %arg11[%parallel_loop3A_127] : memref<50000xi32, #tpu.memory_space<vmem>>[vector<16xi32>], vector<16xi32>,
            %parallel_loop3A_135 = tpu.vector_load_idx %arg11[%parallel_loop3A_131] : memref<50000xi32, #tpu.memory_space<vmem>>[vector<16xi32>], vector<16xi32>,
            %parallel_loop3A_136 = arith.constant 1073741823 : i32
            %parallel_loop3A_137 = vector.broadcast %parallel_loop3A_136 : i32 to vector<16xi32>
            %parallel_loop3A_138 = arith.andi %gather3A_119, %parallel_loop3A_137 : vector<16xi32>
            %parallel_loop3A_139 = arith.constant 1073741823 : i32
            %parallel_loop3A_140 = vector.broadcast %parallel_loop3A_139 : i32 to vector<16xi32>
            %parallel_loop3A_141 = arith.andi %parallel_loop3A_134, %parallel_loop3A_140 : vector<16xi32>
            %parallel_loop3A_142 = arith.constant 1073741823 : i32
            %parallel_loop3A_143 = vector.broadcast %parallel_loop3A_142 : i32 to vector<16xi32>
            %parallel_loop3A_144 = arith.andi %parallel_loop3A_135, %parallel_loop3A_143 : vector<16xi32>
            %parallel_loop3A_145 = arith.cmpi eq, %parallel_loop3A_141, %parallel_loop3A_138 : vector<16xi32>
            %parallel_loop3A_146 = arith.cmpi eq, %parallel_loop3A_144, %parallel_loop3A_138 : vector<16xi32>
            %parallel_loop3A_147 = arith.cmpi eq, %parallel_loop3A_141, %gather3A_120 : vector<16xi32>
            %parallel_loop3A_148 = arith.cmpi eq, %parallel_loop3A_144, %gather3A_120 : vector<16xi32>
            %parallel_loop3A_149 = arith.ori %parallel_loop3A_145, %parallel_loop3A_146 : vector<16xi1>
            %parallel_loop3A_150 = arith.andi %parallel_loop3A_145, %parallel_loop3A_148 : vector<16xi1>
            %parallel_loop3A_151 = arith.andi %parallel_loop3A_146, %parallel_loop3A_147 : vector<16xi1>
            %parallel_loop3A_152 = arith.ori %parallel_loop3A_150, %parallel_loop3A_151 : vector<16xi1>
            %parallel_loop3A_153 = arith.constant dense<true> : vector<16xi1>
            %parallel_loop3A_154 = arith.xori %parallel_loop3A_152, %parallel_loop3A_153 : vector<16xi1>
            %parallel_loop3A_155 = arith.andi %parallel_loop3A_149, %parallel_loop3A_154 : vector<16xi1>
            %parallel_loop3A_156 = arith.ori %parallel_loop3A_134, %parallel_loop3A_135 : vector<16xi32>
            %parallel_loop3A_157 = arith.constant 1073741824 : i32
            %parallel_loop3A_158 = vector.broadcast %parallel_loop3A_157 : i32 to vector<16xi32>
            %parallel_loop3A_159 = arith.andi %parallel_loop3A_156, %parallel_loop3A_158 : vector<16xi32>
            %parallel_loop3A_160 = arith.constant 0 : i32
            %parallel_loop3A_161 = vector.broadcast %parallel_loop3A_160 : i32 to vector<16xi32>
            %parallel_loop3A_162 = arith.cmpi ne, %parallel_loop3A_159, %parallel_loop3A_161 : vector<16xi32>
            %parallel_loop3A_163 = arith.constant 1073741824 : i32
            %parallel_loop3A_164 = vector.broadcast %parallel_loop3A_163 : i32 to vector<16xi32>
            %parallel_loop3A_165 = arith.cmpi sge, %gather3A_119, %parallel_loop3A_164 : vector<16xi32>
            %parallel_loop3A_166 = arith.select %parallel_loop3A_165, %parallel_loop3A_162, %parallel_loop3A_155 : vector<16xi1>, vector<16xi1>
            %parallel_loop3A_167 = arith.constant -1.000000e+09 : f32
            %parallel_loop3A_168 = vector.broadcast %parallel_loop3A_167 : f32 to vector<16xf32>
            %parallel_loop3A_169 = arith.select %parallel_loop3A_166, %parallel_loop3A_133, %parallel_loop3A_168 : vector<16xi1>, vector<16xf32>
            %parallel_loop3A_170 = arith.index_cast %parallel_loop3A_123 : i32 to index
            %parallel_loop3A_171 = tpu.vector_load %arg22[%parallel_loop3A_170] {strides = array<i32>} : memref<6400xf32, #tpu.memory_space<vmem>>, vector<16xf32>,
            tpu.vector_store %arg22[%parallel_loop3A_170], %parallel_loop3A_169 {strides = array<i32>} : memref<6400xf32, #tpu.memory_space<vmem>>, vector<16xf32>,
          } {sc.loop_unroll_factor = 5 : i64, sc.parallel_access}
        } else {
        }
        %not3A = arith.constant true
        %not3A_114 = arith.xori %reduce_and3A_110, %not3A : i1
        %convert_element_type3A_115 = arith.extui %not3A_114 : i1 to i32
        %cond3A_116 = arith.constant 0 : i32
        %cond3A_117 = arith.cmpi ne, %convert_element_type3A_115, %cond3A_116 : i32
        scf.if %cond3A_117 {
          %parallel_loop3A = arith.constant 0 : i32
          %parallel_loop3A_119 = arith.constant 6400 : i32
          %parallel_loop3A_120 = arith.constant 16 : i32
          scf.for %parallel_loop3A_121 = %parallel_loop3A to %parallel_loop3A_119 step %parallel_loop3A_120  : i32 {
            %parallel_loop3A_122 = arith.index_cast %parallel_loop3A_121 : i32 to index
            %parallel_loop3A_123 = tpu.vector_load %arg17[%parallel_loop3A_122] {strides = array<i32>} : memref<6400xi32, #tpu.memory_space<vmem>>, vector<16xi32>,
            %parallel_loop3A_124 = tpu.vector_load_idx %arg13[%parallel_loop3A_123] : memref<16xi32, #tpu.memory_space<vmem>>[vector<16xi32>], vector<16xi32>,
            %parallel_loop3A_125 = tpu.vector_load_idx %arg14[%parallel_loop3A_123] : memref<16xi32, #tpu.memory_space<vmem>>[vector<16xi32>], vector<16xi32>,
            %parallel_loop3A_126 = arith.constant 0 : i32
            %parallel_loop3A_127 = arith.index_cast %parallel_loop3A_126 : i32 to index
            %parallel_loop3A_128 = arith.index_cast %parallel_loop3A_121 : i32 to index
            %parallel_loop3A_129 = tpu.vector_load %arg16[%parallel_loop3A_127, %parallel_loop3A_128] {strides = array<i32>} : memref<2x6400xi32, #tpu.memory_space<vmem>>, vector<16xi32>,
            %parallel_loop3A_130 = arith.constant 1 : i32
            %parallel_loop3A_131 = arith.index_cast %parallel_loop3A_130 : i32 to index
            %parallel_loop3A_132 = arith.index_cast %parallel_loop3A_121 : i32 to index
            %parallel_loop3A_133 = tpu.vector_load %arg16[%parallel_loop3A_131, %parallel_loop3A_132] {strides = array<i32>} : memref<2x6400xi32, #tpu.memory_space<vmem>>, vector<16xi32>,
            %parallel_loop3A_134 = arith.index_cast %parallel_loop3A_121 : i32 to index
            %parallel_loop3A_135 = tpu.vector_load %arg18[%parallel_loop3A_134] {strides = array<i32>} : memref<6400xf32, #tpu.memory_space<vmem>>, vector<16xf32>,
            %parallel_loop3A_136 = tpu.vector_load_idx %arg11[%parallel_loop3A_129] : memref<50000xi32, #tpu.memory_space<vmem>>[vector<16xi32>], vector<16xi32>,
            %parallel_loop3A_137 = tpu.vector_load_idx %arg11[%parallel_loop3A_133] : memref<50000xi32, #tpu.memory_space<vmem>>[vector<16xi32>], vector<16xi32>,
            %parallel_loop3A_138 = arith.constant 1073741823 : i32
            %parallel_loop3A_139 = vector.broadcast %parallel_loop3A_138 : i32 to vector<16xi32>
            %parallel_loop3A_140 = arith.andi %parallel_loop3A_124, %parallel_loop3A_139 : vector<16xi32>
            %parallel_loop3A_141 = arith.constant 1073741823 : i32
            %parallel_loop3A_142 = vector.broadcast %parallel_loop3A_141 : i32 to vector<16xi32>
            %parallel_loop3A_143 = arith.andi %parallel_loop3A_136, %parallel_loop3A_142 : vector<16xi32>
            %parallel_loop3A_144 = arith.constant 1073741823 : i32
            %parallel_loop3A_145 = vector.broadcast %parallel_loop3A_144 : i32 to vector<16xi32>
            %parallel_loop3A_146 = arith.andi %parallel_loop3A_137, %parallel_loop3A_145 : vector<16xi32>
            %parallel_loop3A_147 = arith.cmpi eq, %parallel_loop3A_143, %parallel_loop3A_140 : vector<16xi32>
            %parallel_loop3A_148 = arith.cmpi eq, %parallel_loop3A_146, %parallel_loop3A_140 : vector<16xi32>
            %parallel_loop3A_149 = arith.cmpi eq, %parallel_loop3A_143, %parallel_loop3A_125 : vector<16xi32>
            %parallel_loop3A_150 = arith.cmpi eq, %parallel_loop3A_146, %parallel_loop3A_125 : vector<16xi32>
            %parallel_loop3A_151 = arith.ori %parallel_loop3A_147, %parallel_loop3A_148 : vector<16xi1>
            %parallel_loop3A_152 = arith.andi %parallel_loop3A_147, %parallel_loop3A_150 : vector<16xi1>
            %parallel_loop3A_153 = arith.andi %parallel_loop3A_148, %parallel_loop3A_149 : vector<16xi1>
            %parallel_loop3A_154 = arith.ori %parallel_loop3A_152, %parallel_loop3A_153 : vector<16xi1>
            %parallel_loop3A_155 = arith.constant dense<true> : vector<16xi1>
            %parallel_loop3A_156 = arith.xori %parallel_loop3A_154, %parallel_loop3A_155 : vector<16xi1>
            %parallel_loop3A_157 = arith.andi %parallel_loop3A_151, %parallel_loop3A_156 : vector<16xi1>
            %parallel_loop3A_158 = arith.ori %parallel_loop3A_136, %parallel_loop3A_137 : vector<16xi32>
            %parallel_loop3A_159 = arith.constant 1073741824 : i32
            %parallel_loop3A_160 = vector.broadcast %parallel_loop3A_159 : i32 to vector<16xi32>
            %parallel_loop3A_161 = arith.andi %parallel_loop3A_158, %parallel_loop3A_160 : vector<16xi32>
            %parallel_loop3A_162 = arith.constant 0 : i32
            %parallel_loop3A_163 = vector.broadcast %parallel_loop3A_162 : i32 to vector<16xi32>
            %parallel_loop3A_164 = arith.cmpi ne, %parallel_loop3A_161, %parallel_loop3A_163 : vector<16xi32>
            %parallel_loop3A_165 = arith.constant 1073741824 : i32
            %parallel_loop3A_166 = vector.broadcast %parallel_loop3A_165 : i32 to vector<16xi32>
            %parallel_loop3A_167 = arith.cmpi sge, %parallel_loop3A_124, %parallel_loop3A_166 : vector<16xi32>
            %parallel_loop3A_168 = arith.select %parallel_loop3A_167, %parallel_loop3A_164, %parallel_loop3A_157 : vector<16xi1>, vector<16xi1>
            %parallel_loop3A_169 = arith.constant -1.000000e+09 : f32
            %parallel_loop3A_170 = vector.broadcast %parallel_loop3A_169 : f32 to vector<16xf32>
            %parallel_loop3A_171 = arith.select %parallel_loop3A_168, %parallel_loop3A_135, %parallel_loop3A_170 : vector<16xi1>, vector<16xf32>
            %parallel_loop3A_172 = arith.index_cast %parallel_loop3A_121 : i32 to index
            %parallel_loop3A_173 = tpu.vector_load %arg22[%parallel_loop3A_172] {strides = array<i32>} : memref<6400xf32, #tpu.memory_space<vmem>>, vector<16xf32>,
            tpu.vector_store %arg22[%parallel_loop3A_172], %parallel_loop3A_171 {strides = array<i32>} : memref<6400xf32, #tpu.memory_space<vmem>>, vector<16xf32>,
          } {sc.loop_unroll_factor = 2 : i64, sc.parallel_access}
        } else {
        }
        %dma_start3A = tpu.memref_slice %arg10[%multiple_of3A] : memref<1600000xf32, #tpu.memory_space<hbm>> -> memref<6400xf32, #tpu.memory_space<hbm>>
        %dma_start3A_118 = tpu.memref_slice %arg10[%multiple_of3A] : memref<1600000xf32, #tpu.memory_space<hbm>> -> memref<6400xf32, #tpu.memory_space<hbm>>
        tpu.enqueue_dma source(%arg22 : memref<6400xf32, #tpu.memory_space<vmem>>) target(%dma_start3A_118 : memref<6400xf32, #tpu.memory_space<hbm>>) target_semaphore(%arg26 : memref<!tpu.dma_semaphore, #tpu.memory_space<semaphore_mem>>)
      } else {
      }
      %add3A_56 = arith.constant 1 : i32
      %add3A_57 = arith.addi %mul3A_47, %add3A_56 : i32
      %mul3A_58 = arith.constant 32 : i32
      %mul3A_59 = arith.muli %add3A_57, %mul3A_58 : i32
      %add3A_60 = arith.addi %add3A, %mul3A_59 : i32
      %lt3A_61 = arith.constant 250 : i32
      %lt3A_62 = arith.cmpi slt, %add3A_60, %lt3A_61 : i32
      %convert_element_type3A_63 = arith.extui %lt3A_62 : i1 to i32
      %cond3A_64 = arith.constant 0 : i32
      %cond3A_65 = arith.cmpi ne, %convert_element_type3A_63, %cond3A_64 : i32
      scf.if %cond3A_65 {
        %mul3A_66 = arith.constant 6400 : i32
        %mul3A_67 = arith.muli %add3A_60, %mul3A_66 : i32
        %multiple_of3A = tpu.assume_multiple %mul3A_67, 6400 : i32
        %add3A_68 = arith.constant 1 : i32
        %add3A_69 = arith.addi %add3A_57, %add3A_68 : i32
        %mul3A_70 = arith.constant 32 : i32
        %mul3A_71 = arith.muli %add3A_69, %mul3A_70 : i32
        %add3A_72 = arith.addi %add3A, %mul3A_71 : i32
        %lt3A_73 = arith.constant 250 : i32
        %lt3A_74 = arith.cmpi slt, %add3A_72, %lt3A_73 : i32
        %convert_element_type3A_75 = arith.extui %lt3A_74 : i1 to i32
        %cond3A_76 = arith.constant 0 : i32
        %cond3A_77 = arith.cmpi ne, %convert_element_type3A_75, %cond3A_76 : i32
        scf.if %cond3A_77 {
          %mul3A_119 = arith.constant 6400 : i32
          %mul3A_120 = arith.muli %add3A_72, %mul3A_119 : i32
          %multiple_of3A_121 = tpu.assume_multiple %mul3A_120, 6400 : i32
          %dma_start3A_122 = tpu.memref_slice %arg2[%multiple_of3A_121] : memref<1600000xf32, #tpu.memory_space<hbm>> -> memref<6400xf32, #tpu.memory_space<hbm>>
          %dma_start3A_123 = tpu.memref_slice %arg2[%multiple_of3A_121] : memref<1600000xf32, #tpu.memory_space<hbm>> -> memref<6400xf32, #tpu.memory_space<hbm>>
          tpu.enqueue_dma source(%dma_start3A_123 : memref<6400xf32, #tpu.memory_space<hbm>>) target(%arg18 : memref<6400xf32, #tpu.memory_space<vmem>>) target_semaphore(%arg24 : memref<!tpu.dma_semaphore, #tpu.memory_space<semaphore_mem>>)
          %dma_start3A_124 = arith.constant 0 : i32
          %dma_start3A_125 = tpu.memref_slice %arg3[%dma_start3A_124, %multiple_of3A_121] : memref<2x1600000xi32, #tpu.memory_space<hbm>> -> memref<2x6400xi32, #tpu.memory_space<hbm>>
          %dma_start3A_126 = arith.constant 0 : i32
          %dma_start3A_127 = tpu.memref_slice %arg3[%dma_start3A_126, %multiple_of3A_121] : memref<2x1600000xi32, #tpu.memory_space<hbm>> -> memref<2x6400xi32, #tpu.memory_space<hbm>>
          tpu.enqueue_dma source(%dma_start3A_127 : memref<2x6400xi32, #tpu.memory_space<hbm>>) target(%arg16 : memref<2x6400xi32, #tpu.memory_space<vmem>>) target_semaphore(%arg24 : memref<!tpu.dma_semaphore, #tpu.memory_space<semaphore_mem>>)
          %dma_start3A_128 = tpu.memref_slice %arg4[%multiple_of3A_121] : memref<1600000xi32, #tpu.memory_space<hbm>> -> memref<6400xi32, #tpu.memory_space<hbm>>
          %dma_start3A_129 = tpu.memref_slice %arg4[%multiple_of3A_121] : memref<1600000xi32, #tpu.memory_space<hbm>> -> memref<6400xi32, #tpu.memory_space<hbm>>
          tpu.enqueue_dma source(%dma_start3A_129 : memref<6400xi32, #tpu.memory_space<hbm>>) target(%arg17 : memref<6400xi32, #tpu.memory_space<vmem>>) target_semaphore(%arg24 : memref<!tpu.dma_semaphore, #tpu.memory_space<semaphore_mem>>)
        } else {
        }
        %dma_wait3A_78 = arith.constant 0 : i32
        %dma_wait3A_79 = tpu.memref_slice %arg2[%dma_wait3A_78] : memref<1600000xf32, #tpu.memory_space<hbm>> -> memref<6400xf32, #tpu.memory_space<hbm>>
        %dma_wait3A_80 = arith.constant 0 : i32
        %dma_wait3A_81 = tpu.memref_slice %arg2[%dma_wait3A_80] : memref<1600000xf32, #tpu.memory_space<hbm>> -> memref<6400xf32, #tpu.memory_space<hbm>>
        tpu.wait_dma2 semaphore(%arg25 : memref<!tpu.dma_semaphore, #tpu.memory_space<semaphore_mem>>) src(%dma_wait3A_81 : memref<6400xf32, #tpu.memory_space<hbm>>) dst(%arg21 : memref<6400xf32, #tpu.memory_space<vmem>>)
        %dma_wait3A_82 = arith.constant 0 : i32
        %dma_wait3A_83 = arith.constant 0 : i32
        %dma_wait3A_84 = tpu.memref_slice %arg3[%dma_wait3A_82, %dma_wait3A_83] : memref<2x1600000xi32, #tpu.memory_space<hbm>> -> memref<2x6400xi32, #tpu.memory_space<hbm>>
        %dma_wait3A_85 = arith.constant 0 : i32
        %dma_wait3A_86 = arith.constant 0 : i32
        %dma_wait3A_87 = tpu.memref_slice %arg3[%dma_wait3A_85, %dma_wait3A_86] : memref<2x1600000xi32, #tpu.memory_space<hbm>> -> memref<2x6400xi32, #tpu.memory_space<hbm>>
        tpu.wait_dma2 semaphore(%arg25 : memref<!tpu.dma_semaphore, #tpu.memory_space<semaphore_mem>>) src(%dma_wait3A_87 : memref<2x6400xi32, #tpu.memory_space<hbm>>) dst(%arg19 : memref<2x6400xi32, #tpu.memory_space<vmem>>)
        %dma_wait3A_88 = arith.constant 0 : i32
        %dma_wait3A_89 = tpu.memref_slice %arg4[%dma_wait3A_88] : memref<1600000xi32, #tpu.memory_space<hbm>> -> memref<6400xi32, #tpu.memory_space<hbm>>
        %dma_wait3A_90 = arith.constant 0 : i32
        %dma_wait3A_91 = tpu.memref_slice %arg4[%dma_wait3A_90] : memref<1600000xi32, #tpu.memory_space<hbm>> -> memref<6400xi32, #tpu.memory_space<hbm>>
        tpu.wait_dma2 semaphore(%arg25 : memref<!tpu.dma_semaphore, #tpu.memory_space<semaphore_mem>>) src(%dma_wait3A_91 : memref<6400xi32, #tpu.memory_space<hbm>>) dst(%arg20 : memref<6400xi32, #tpu.memory_space<vmem>>)
        %ge3A = arith.constant 64 : i32
        %ge3A_92 = arith.cmpi sge, %add3A_60, %ge3A : i32
        %convert_element_type3A_93 = arith.extui %ge3A_92 : i1 to i32
        %cond3A_94 = arith.constant 0 : i32
        %cond3A_95 = arith.cmpi ne, %convert_element_type3A_93, %cond3A_94 : i32
        scf.if %cond3A_95 {
          %dma_wait3A_119 = arith.constant 0 : i32
          %dma_wait3A_120 = tpu.memref_slice %arg10[%dma_wait3A_119] : memref<1600000xf32, #tpu.memory_space<hbm>> -> memref<6400xf32, #tpu.memory_space<hbm>>
          %dma_wait3A_121 = arith.constant 0 : i32
          %dma_wait3A_122 = tpu.memref_slice %arg10[%dma_wait3A_121] : memref<1600000xf32, #tpu.memory_space<hbm>> -> memref<6400xf32, #tpu.memory_space<hbm>>
          tpu.wait_dma2 semaphore(%arg27 : memref<!tpu.dma_semaphore, #tpu.memory_space<semaphore_mem>>) src(%arg23 : memref<6400xf32, #tpu.memory_space<vmem>>) dst(%dma_wait3A_122 : memref<6400xf32, #tpu.memory_space<hbm>>)
        } else {
        }
        %get3A_96 = arith.constant 0 : index
        %get3A_97 = tpu.vector_load %arg20[%get3A_96] {strides = array<i32>} : memref<6400xi32, #tpu.memory_space<vmem>>, vector<16xi32>,
        %get3A_98 = arith.constant 6384 : index
        %get3A_99 = tpu.vector_load %arg20[%get3A_98] {strides = array<i32>} : memref<6400xi32, #tpu.memory_space<vmem>>, vector<16xi32>,
        %eq3A_100 = arith.cmpi eq, %get3A_97, %get3A_99 : vector<16xi32>
        %reduce_and3A = arith.constant 1.000000e+00 : f32
        %reduce_and3A_101 = arith.constant 0.000000e+00 : f32
        %reduce_and3A_102 = vector.broadcast %reduce_and3A : f32 to vector<16xf32>
        %reduce_and3A_103 = vector.broadcast %reduce_and3A_101 : f32 to vector<16xf32>
        %reduce_and3A_104 = arith.select %eq3A_100, %reduce_and3A_102, %reduce_and3A_103 : vector<16xi1>, vector<16xf32>
        %reduce_and3A_105 = arith.constant true
        %reduce_and3A_106 = vector.broadcast %reduce_and3A_105 : i1 to vector<16xi1>
        %reduce_and3A_107 = tpu.scan <min>, %reduce_and3A_104 masked %reduce_and3A_106 : vector<16xf32>, vector<16xi1> -> vector<16xf32>
        %reduce_and3A_108 = vector.extract %reduce_and3A_107[15] : f32 from vector<16xf32>
        %reduce_and3A_109 = arith.constant 0.000000e+00 : f32
        %reduce_and3A_110 = arith.cmpf ogt, %reduce_and3A_108, %reduce_and3A_109 : f32
        %convert_element_type3A_111 = arith.extui %reduce_and3A_110 : i1 to i32
        %cond3A_112 = arith.constant 0 : i32
        %cond3A_113 = arith.cmpi ne, %convert_element_type3A_111, %cond3A_112 : i32
        scf.if %cond3A_113 {
          %gather3A_119 = tpu.vector_load_idx %arg13[%get3A_97] : memref<16xi32, #tpu.memory_space<vmem>>[vector<16xi32>], vector<16xi32>,
          %gather3A_120 = tpu.vector_load_idx %arg14[%get3A_97] : memref<16xi32, #tpu.memory_space<vmem>>[vector<16xi32>], vector<16xi32>,
          %parallel_loop3A = arith.constant 0 : i32
          %parallel_loop3A_121 = arith.constant 6400 : i32
          %parallel_loop3A_122 = arith.constant 16 : i32
          scf.for %parallel_loop3A_123 = %parallel_loop3A to %parallel_loop3A_121 step %parallel_loop3A_122  : i32 {
            %parallel_loop3A_124 = arith.constant 0 : i32
            %parallel_loop3A_125 = arith.index_cast %parallel_loop3A_124 : i32 to index
            %parallel_loop3A_126 = arith.index_cast %parallel_loop3A_123 : i32 to index
            %parallel_loop3A_127 = tpu.vector_load %arg19[%parallel_loop3A_125, %parallel_loop3A_126] {strides = array<i32>} : memref<2x6400xi32, #tpu.memory_space<vmem>>, vector<16xi32>,
            %parallel_loop3A_128 = arith.constant 1 : i32
            %parallel_loop3A_129 = arith.index_cast %parallel_loop3A_128 : i32 to index
            %parallel_loop3A_130 = arith.index_cast %parallel_loop3A_123 : i32 to index
            %parallel_loop3A_131 = tpu.vector_load %arg19[%parallel_loop3A_129, %parallel_loop3A_130] {strides = array<i32>} : memref<2x6400xi32, #tpu.memory_space<vmem>>, vector<16xi32>,
            %parallel_loop3A_132 = arith.index_cast %parallel_loop3A_123 : i32 to index
            %parallel_loop3A_133 = tpu.vector_load %arg21[%parallel_loop3A_132] {strides = array<i32>} : memref<6400xf32, #tpu.memory_space<vmem>>, vector<16xf32>,
            %parallel_loop3A_134 = tpu.vector_load_idx %arg11[%parallel_loop3A_127] : memref<50000xi32, #tpu.memory_space<vmem>>[vector<16xi32>], vector<16xi32>,
            %parallel_loop3A_135 = tpu.vector_load_idx %arg11[%parallel_loop3A_131] : memref<50000xi32, #tpu.memory_space<vmem>>[vector<16xi32>], vector<16xi32>,
            %parallel_loop3A_136 = arith.constant 1073741823 : i32
            %parallel_loop3A_137 = vector.broadcast %parallel_loop3A_136 : i32 to vector<16xi32>
            %parallel_loop3A_138 = arith.andi %gather3A_119, %parallel_loop3A_137 : vector<16xi32>
            %parallel_loop3A_139 = arith.constant 1073741823 : i32
            %parallel_loop3A_140 = vector.broadcast %parallel_loop3A_139 : i32 to vector<16xi32>
            %parallel_loop3A_141 = arith.andi %parallel_loop3A_134, %parallel_loop3A_140 : vector<16xi32>
            %parallel_loop3A_142 = arith.constant 1073741823 : i32
            %parallel_loop3A_143 = vector.broadcast %parallel_loop3A_142 : i32 to vector<16xi32>
            %parallel_loop3A_144 = arith.andi %parallel_loop3A_135, %parallel_loop3A_143 : vector<16xi32>
            %parallel_loop3A_145 = arith.cmpi eq, %parallel_loop3A_141, %parallel_loop3A_138 : vector<16xi32>
            %parallel_loop3A_146 = arith.cmpi eq, %parallel_loop3A_144, %parallel_loop3A_138 : vector<16xi32>
            %parallel_loop3A_147 = arith.cmpi eq, %parallel_loop3A_141, %gather3A_120 : vector<16xi32>
            %parallel_loop3A_148 = arith.cmpi eq, %parallel_loop3A_144, %gather3A_120 : vector<16xi32>
            %parallel_loop3A_149 = arith.ori %parallel_loop3A_145, %parallel_loop3A_146 : vector<16xi1>
            %parallel_loop3A_150 = arith.andi %parallel_loop3A_145, %parallel_loop3A_148 : vector<16xi1>
            %parallel_loop3A_151 = arith.andi %parallel_loop3A_146, %parallel_loop3A_147 : vector<16xi1>
            %parallel_loop3A_152 = arith.ori %parallel_loop3A_150, %parallel_loop3A_151 : vector<16xi1>
            %parallel_loop3A_153 = arith.constant dense<true> : vector<16xi1>
            %parallel_loop3A_154 = arith.xori %parallel_loop3A_152, %parallel_loop3A_153 : vector<16xi1>
            %parallel_loop3A_155 = arith.andi %parallel_loop3A_149, %parallel_loop3A_154 : vector<16xi1>
            %parallel_loop3A_156 = arith.ori %parallel_loop3A_134, %parallel_loop3A_135 : vector<16xi32>
            %parallel_loop3A_157 = arith.constant 1073741824 : i32
            %parallel_loop3A_158 = vector.broadcast %parallel_loop3A_157 : i32 to vector<16xi32>
            %parallel_loop3A_159 = arith.andi %parallel_loop3A_156, %parallel_loop3A_158 : vector<16xi32>
            %parallel_loop3A_160 = arith.constant 0 : i32
            %parallel_loop3A_161 = vector.broadcast %parallel_loop3A_160 : i32 to vector<16xi32>
            %parallel_loop3A_162 = arith.cmpi ne, %parallel_loop3A_159, %parallel_loop3A_161 : vector<16xi32>
            %parallel_loop3A_163 = arith.constant 1073741824 : i32
            %parallel_loop3A_164 = vector.broadcast %parallel_loop3A_163 : i32 to vector<16xi32>
            %parallel_loop3A_165 = arith.cmpi sge, %gather3A_119, %parallel_loop3A_164 : vector<16xi32>
            %parallel_loop3A_166 = arith.select %parallel_loop3A_165, %parallel_loop3A_162, %parallel_loop3A_155 : vector<16xi1>, vector<16xi1>
            %parallel_loop3A_167 = arith.constant -1.000000e+09 : f32
            %parallel_loop3A_168 = vector.broadcast %parallel_loop3A_167 : f32 to vector<16xf32>
            %parallel_loop3A_169 = arith.select %parallel_loop3A_166, %parallel_loop3A_133, %parallel_loop3A_168 : vector<16xi1>, vector<16xf32>
            %parallel_loop3A_170 = arith.index_cast %parallel_loop3A_123 : i32 to index
            %parallel_loop3A_171 = tpu.vector_load %arg23[%parallel_loop3A_170] {strides = array<i32>} : memref<6400xf32, #tpu.memory_space<vmem>>, vector<16xf32>,
            tpu.vector_store %arg23[%parallel_loop3A_170], %parallel_loop3A_169 {strides = array<i32>} : memref<6400xf32, #tpu.memory_space<vmem>>, vector<16xf32>,
          } {sc.loop_unroll_factor = 5 : i64, sc.parallel_access}
        } else {
        }
        %not3A = arith.constant true
        %not3A_114 = arith.xori %reduce_and3A_110, %not3A : i1
        %convert_element_type3A_115 = arith.extui %not3A_114 : i1 to i32
        %cond3A_116 = arith.constant 0 : i32
        %cond3A_117 = arith.cmpi ne, %convert_element_type3A_115, %cond3A_116 : i32
        scf.if %cond3A_117 {
          %parallel_loop3A = arith.constant 0 : i32
          %parallel_loop3A_119 = arith.constant 6400 : i32
          %parallel_loop3A_120 = arith.constant 16 : i32
          scf.for %parallel_loop3A_121 = %parallel_loop3A to %parallel_loop3A_119 step %parallel_loop3A_120  : i32 {
            %parallel_loop3A_122 = arith.index_cast %parallel_loop3A_121 : i32 to index
            %parallel_loop3A_123 = tpu.vector_load %arg20[%parallel_loop3A_122] {strides = array<i32>} : memref<6400xi32, #tpu.memory_space<vmem>>, vector<16xi32>,
            %parallel_loop3A_124 = tpu.vector_load_idx %arg13[%parallel_loop3A_123] : memref<16xi32, #tpu.memory_space<vmem>>[vector<16xi32>], vector<16xi32>,
            %parallel_loop3A_125 = tpu.vector_load_idx %arg14[%parallel_loop3A_123] : memref<16xi32, #tpu.memory_space<vmem>>[vector<16xi32>], vector<16xi32>,
            %parallel_loop3A_126 = arith.constant 0 : i32
            %parallel_loop3A_127 = arith.index_cast %parallel_loop3A_126 : i32 to index
            %parallel_loop3A_128 = arith.index_cast %parallel_loop3A_121 : i32 to index
            %parallel_loop3A_129 = tpu.vector_load %arg19[%parallel_loop3A_127, %parallel_loop3A_128] {strides = array<i32>} : memref<2x6400xi32, #tpu.memory_space<vmem>>, vector<16xi32>,
            %parallel_loop3A_130 = arith.constant 1 : i32
            %parallel_loop3A_131 = arith.index_cast %parallel_loop3A_130 : i32 to index
            %parallel_loop3A_132 = arith.index_cast %parallel_loop3A_121 : i32 to index
            %parallel_loop3A_133 = tpu.vector_load %arg19[%parallel_loop3A_131, %parallel_loop3A_132] {strides = array<i32>} : memref<2x6400xi32, #tpu.memory_space<vmem>>, vector<16xi32>,
            %parallel_loop3A_134 = arith.index_cast %parallel_loop3A_121 : i32 to index
            %parallel_loop3A_135 = tpu.vector_load %arg21[%parallel_loop3A_134] {strides = array<i32>} : memref<6400xf32, #tpu.memory_space<vmem>>, vector<16xf32>,
            %parallel_loop3A_136 = tpu.vector_load_idx %arg11[%parallel_loop3A_129] : memref<50000xi32, #tpu.memory_space<vmem>>[vector<16xi32>], vector<16xi32>,
            %parallel_loop3A_137 = tpu.vector_load_idx %arg11[%parallel_loop3A_133] : memref<50000xi32, #tpu.memory_space<vmem>>[vector<16xi32>], vector<16xi32>,
            %parallel_loop3A_138 = arith.constant 1073741823 : i32
            %parallel_loop3A_139 = vector.broadcast %parallel_loop3A_138 : i32 to vector<16xi32>
            %parallel_loop3A_140 = arith.andi %parallel_loop3A_124, %parallel_loop3A_139 : vector<16xi32>
            %parallel_loop3A_141 = arith.constant 1073741823 : i32
            %parallel_loop3A_142 = vector.broadcast %parallel_loop3A_141 : i32 to vector<16xi32>
            %parallel_loop3A_143 = arith.andi %parallel_loop3A_136, %parallel_loop3A_142 : vector<16xi32>
            %parallel_loop3A_144 = arith.constant 1073741823 : i32
            %parallel_loop3A_145 = vector.broadcast %parallel_loop3A_144 : i32 to vector<16xi32>
            %parallel_loop3A_146 = arith.andi %parallel_loop3A_137, %parallel_loop3A_145 : vector<16xi32>
            %parallel_loop3A_147 = arith.cmpi eq, %parallel_loop3A_143, %parallel_loop3A_140 : vector<16xi32>
            %parallel_loop3A_148 = arith.cmpi eq, %parallel_loop3A_146, %parallel_loop3A_140 : vector<16xi32>
            %parallel_loop3A_149 = arith.cmpi eq, %parallel_loop3A_143, %parallel_loop3A_125 : vector<16xi32>
            %parallel_loop3A_150 = arith.cmpi eq, %parallel_loop3A_146, %parallel_loop3A_125 : vector<16xi32>
            %parallel_loop3A_151 = arith.ori %parallel_loop3A_147, %parallel_loop3A_148 : vector<16xi1>
            %parallel_loop3A_152 = arith.andi %parallel_loop3A_147, %parallel_loop3A_150 : vector<16xi1>
            %parallel_loop3A_153 = arith.andi %parallel_loop3A_148, %parallel_loop3A_149 : vector<16xi1>
            %parallel_loop3A_154 = arith.ori %parallel_loop3A_152, %parallel_loop3A_153 : vector<16xi1>
            %parallel_loop3A_155 = arith.constant dense<true> : vector<16xi1>
            %parallel_loop3A_156 = arith.xori %parallel_loop3A_154, %parallel_loop3A_155 : vector<16xi1>
            %parallel_loop3A_157 = arith.andi %parallel_loop3A_151, %parallel_loop3A_156 : vector<16xi1>
            %parallel_loop3A_158 = arith.ori %parallel_loop3A_136, %parallel_loop3A_137 : vector<16xi32>
            %parallel_loop3A_159 = arith.constant 1073741824 : i32
            %parallel_loop3A_160 = vector.broadcast %parallel_loop3A_159 : i32 to vector<16xi32>
            %parallel_loop3A_161 = arith.andi %parallel_loop3A_158, %parallel_loop3A_160 : vector<16xi32>
            %parallel_loop3A_162 = arith.constant 0 : i32
            %parallel_loop3A_163 = vector.broadcast %parallel_loop3A_162 : i32 to vector<16xi32>
            %parallel_loop3A_164 = arith.cmpi ne, %parallel_loop3A_161, %parallel_loop3A_163 : vector<16xi32>
            %parallel_loop3A_165 = arith.constant 1073741824 : i32
            %parallel_loop3A_166 = vector.broadcast %parallel_loop3A_165 : i32 to vector<16xi32>
            %parallel_loop3A_167 = arith.cmpi sge, %parallel_loop3A_124, %parallel_loop3A_166 : vector<16xi32>
            %parallel_loop3A_168 = arith.select %parallel_loop3A_167, %parallel_loop3A_164, %parallel_loop3A_157 : vector<16xi1>, vector<16xi1>
            %parallel_loop3A_169 = arith.constant -1.000000e+09 : f32
            %parallel_loop3A_170 = vector.broadcast %parallel_loop3A_169 : f32 to vector<16xf32>
            %parallel_loop3A_171 = arith.select %parallel_loop3A_168, %parallel_loop3A_135, %parallel_loop3A_170 : vector<16xi1>, vector<16xf32>
            %parallel_loop3A_172 = arith.index_cast %parallel_loop3A_121 : i32 to index
            %parallel_loop3A_173 = tpu.vector_load %arg23[%parallel_loop3A_172] {strides = array<i32>} : memref<6400xf32, #tpu.memory_space<vmem>>, vector<16xf32>,
            tpu.vector_store %arg23[%parallel_loop3A_172], %parallel_loop3A_171 {strides = array<i32>} : memref<6400xf32, #tpu.memory_space<vmem>>, vector<16xf32>,
          } {sc.loop_unroll_factor = 2 : i64, sc.parallel_access}
        } else {
        }
        %dma_start3A = tpu.memref_slice %arg10[%multiple_of3A] : memref<1600000xf32, #tpu.memory_space<hbm>> -> memref<6400xf32, #tpu.memory_space<hbm>>
        %dma_start3A_118 = tpu.memref_slice %arg10[%multiple_of3A] : memref<1600000xf32, #tpu.memory_space<hbm>> -> memref<6400xf32, #tpu.memory_space<hbm>>
        tpu.enqueue_dma source(%arg23 : memref<6400xf32, #tpu.memory_space<vmem>>) target(%dma_start3A_118 : memref<6400xf32, #tpu.memory_space<hbm>>) target_semaphore(%arg27 : memref<!tpu.dma_semaphore, #tpu.memory_space<semaphore_mem>>)
      } else {
      }
    }
    %scan3A_37 = arith.constant 4 : i32
    %dma_wait3A = arith.constant 0 : i32
    %dma_wait3A_38 = tpu.memref_slice %arg10[%dma_wait3A] : memref<1600000xf32, #tpu.memory_space<hbm>> -> memref<6400xf32, #tpu.memory_space<hbm>>
    %dma_wait3A_39 = arith.constant 0 : i32
    %dma_wait3A_40 = tpu.memref_slice %arg10[%dma_wait3A_39] : memref<1600000xf32, #tpu.memory_space<hbm>> -> memref<6400xf32, #tpu.memory_space<hbm>>
    tpu.wait_dma2 semaphore(%arg26 : memref<!tpu.dma_semaphore, #tpu.memory_space<semaphore_mem>>) src(%arg22 : memref<6400xf32, #tpu.memory_space<vmem>>) dst(%dma_wait3A_40 : memref<6400xf32, #tpu.memory_space<hbm>>)
    %dma_wait3A_41 = arith.constant 0 : i32
    %dma_wait3A_42 = tpu.memref_slice %arg10[%dma_wait3A_41] : memref<1600000xf32, #tpu.memory_space<hbm>> -> memref<6400xf32, #tpu.memory_space<hbm>>
    %dma_wait3A_43 = arith.constant 0 : i32
    %dma_wait3A_44 = tpu.memref_slice %arg10[%dma_wait3A_43] : memref<1600000xf32, #tpu.memory_space<hbm>> -> memref<6400xf32, #tpu.memory_space<hbm>>
    tpu.wait_dma2 semaphore(%arg27 : memref<!tpu.dma_semaphore, #tpu.memory_space<semaphore_mem>>) src(%arg23 : memref<6400xf32, #tpu.memory_space<vmem>>) dst(%dma_wait3A_44 : memref<6400xf32, #tpu.memory_space<hbm>>)
    return
  }
}

</mosaic_0001>

<sc_bundles>
// kernel: kernel.3.cloned.1.call-start
scs
__scs_entry_jumppad:
0x0: {  	(pc) =	sbr.rel $0x88, $3  }
0x1: {  	(tag) =	ssettag $0x0;
	lr =	simm.s32 $0x1  }
0x2: {  	[smem:$0x3F99] =	sst lr;
	_ =	strace $0xD0000000  }
0x3: {  	_ = 	snop  }
0x4: {  	_ = 	snop  }
0x5: {  	_ = 	snop  }
0x6: {  	_ = 	snop  }
0x7: {  	_ = 	snop  }
__scs_overlays_trampoline_lowered:
0x8: {  	[smem:$0x3FA8] =	sst s0  }
0x9: {  	[smem:$0x3FA9] =	sst s1  }
0xa: {  	[smem:$0x3FAA] =	sst s2  }
0xb: {  	[smem:$0x3FAB] =	sst s3  }
0xc: {  	[smem:$0x3FAC] =	sst s4  }
0xd: {  	[smem:$0x3FAD] =	sst s5  }
0xe: {  	[smem:$0x3FAE] =	sst s6  }
0xf: {  	[smem:$0x3FAF] =	sst s7  }
0x10: {  	[smem:$0x3FB0] =	sst s8  }
0x11: {  	[smem:$0x3FB1] =	sst s9;
	s0 =	simm.s32 @!p0 $0x0  }
0x12: {  	s1 =	sld [smem:$0x3F97];
	s0 =	simm.s32 @p0 $0x1  }
0x13: {  	[smem:$0x3FB2] =	sst s0;
	s0 =	simm.s32 @!p1 $0x0  }
0x14: {  	s2 =	sld [smem:$0x3F96];
	s0 =	simm.s32 @p1 $0x1  }
0x15: {  	[smem:$0x3FB3] =	sst s0;
	s0 =	simm.s32 @!p2 $0x0  }
0x16: {  	s3 =	sld [smem:$0x3FDB];
	s0 =	simm.s32 @p2 $0x1  }
0x17: {  	s4 =	simm.s32 $0x1BF5;
	[smem:$0x3FB5] =	sst s0  }
0x18: {  	s0 =	sld [smem:$0x3F98];
	_ =	swait.ge [sflag:s4], $0x0  }
0x19: {  	s7 =	sld [smem:$0x3F99]  }
0x1a: {  	s8 =	sadd.s32 $0xFFFFE003, lr  }
0x1b: {  	s9 =	sadd.s32 $0xFFFFFEF7, lr;
	s5 =	simm.s32 $0xFFFFFFFF;
	p2 =	slt.u32 s8, $0xFFFFF086  }
0x1c: {  	p1 =	slt.u32 s9, $0xF7A;
	s5 =	simm.s32 @!p2 $0x0  }
0x1d: {  	s5 =	simm.s32 @p1 $0x1;
	p0 =	seq.s32 s7, s2  }
0x1e: {  	s7 =	smul.u32 @!p0 $0xF7A, s2;
	p2 =	seq.s32 @!p0 s5, $0x0  }
0x1f: {  	s9 =	smul.u32 $0xF7A, s1;
	s8 =	simm.s32 @!p0 $0x1BF5;
	p2 =	por !p2, p0  }
0x20: {  	[sflag:s8] =	ssyncset.s32 @!p0 $0xFFFFF086;
	s6 =	sadd.s32 @!p0 s3, s7;
	s7 =	simm.s32 @!p0 $0x108  }
0x21: {  	s3 =	sadd.s32 s3, s9;
	s6 =	sadd.s32 @!p0 $0x88, s6;
	s7 =	simm.s32 @p2 $0x1082  }
0x22: {  	[simem:s7], [sflag:s8] =	dma.local @!p0 [hbm:s6], $0xF7A  }
0x23: {  	s9 =	sor.u32 $0xD0000000, s2;
	s6 =	simm.s32 $0x108;
	_ =	swait.ge @!p0 [sflag:s8], $0x0  }
0x24: {  	s3 =	sadd.s32 $0x88, s3;
	s6 =	simm.s32 @!p1 $0x1082;
	[sflag:s4] =	ssyncset.s32 $0xFFFFF086  }
0x25: {  	[simem:s6], [sflag:s4] =	dma.local [hbm:s3], $0xF7A  }
0x26: {  	[smem:$0x3F99] =	sst s1;
	(tag) =	ssettag s2;
	_ =	strace s9  }
0x27: {  	s1 =	sld [smem:$0x3FA9]  }
0x28: {  	s2 =	sld [smem:$0x3FAA]  }
0x29: {  	s4 =	sld [smem:$0x3FAC]  }
0x2a: {  	p0 =	seq.s32 s5, $0x0;
	s5 =	sld [smem:$0x3FAD]  }
0x2b: {  	s6 =	sld [smem:$0x3FAE]  }
0x2c: {  	s7 =	sld [smem:$0x3FAF]  }
0x2d: {  	s3 =	simm.s32 $0x108;
	s8 =	sld [smem:$0x3FB0]  }
0x2e: {  	s3 =	simm.s32 @!p0 $0x1082;
	s9 =	sld [smem:$0x3FB1]  }
0x2f: {  	lr =	sadd.s32 s0, s3;
	s0 =	sld [smem:$0x3FA8]  }
0x30: {  	s3 =	sld [smem:$0x3FAB]  }
0x31: {  	[smem:$0x3FB4] =	sst s10  }
0x32: {  	s10 =	sld [smem:$0x3FB2];
	_ =	sdelay $0x3  }
0x33: {  	p0 =	seq.s32 s10, $0x1;
	s10 =	sld [smem:$0x3FB4];
	_ =	sdelay $0x3  }
0x34: {  	[smem:$0x3FB4] =	sst s10  }
0x35: {  	s10 =	sld [smem:$0x3FB3];
	_ =	sdelay $0x3  }
0x36: {  	p1 =	seq.s32 s10, $0x1;
	s10 =	sld [smem:$0x3FB4];
	_ =	sdelay $0x3  }
0x37: {  	[smem:$0x3FB4] =	sst s10  }
0x38: {  	s10 =	sld [smem:$0x3FB5]  }
0x39: {  	_ = 	snop;
	(pc) =	sbr.ind lr, $3  }
0x3a: {  	_ = 	snop  }
0x3b: {  	_ = 	snop  }
0x3c: {  	p2 =	seq.s32 s10, $0x1;
	s10 =	sld [smem:$0x3FB4]  }
0x3d: {  	_ =	shalt  }
0x3e: {  	_ =	shalt  }
0x3f: {  	_ =	shalt  }
0x40: {  	_ =	shalt  }
0x41: {  	_ =	shalt  }
0x42: {  	_ =	shalt  }
0x43: {  	_ =	shalt  }
0x44: {  	_ =	shalt  }
0x45: {  	_ =	shalt  }
0x46: {  	_ =	shalt  }
0x47: {  	_ =	shalt  }
0x48: {  	_ =	shalt  }
0x49: {  	_ =	shalt  }
0x4a: {  	_ =	shalt  }
0x4b: {  	_ =	shalt  }
0x4c: {  	_ =	shalt  }
0x4d: {  	_ =	shalt  }
0x4e: {  	_ =	shalt  }
0x4f: {  	_ =	shalt  }
0x50: {  	_ =	shalt  }
0x51: {  	_ =	shalt  }
0x52: {  	_ =	shalt  }
0x53: {  	_ =	shalt  }
0x54: {  	_ =	shalt  }
0x55: {  	_ =	shalt  }
0x56: {  	_ =	shalt  }
0x57: {  	_ =	shalt  }
0x58: {  	_ =	shalt  }
0x59: {  	_ =	shalt  }
0x5a: {  	_ =	shalt  }
0x5b: {  	_ =	shalt  }
0x5c: {  	_ =	shalt  }
0x5d: {  	_ =	shalt  }
0x5e: {  	_ =	shalt  }
0x5f: {  	_ =	shalt  }
0x60: {  	_ =	shalt  }
0x61: {  	_ =	shalt  }
0x62: {  	_ =	shalt  }
0x63: {  	_ =	shalt  }
0x64: {  	_ =	shalt  }
0x65: {  	_ =	shalt  }
0x66: {  	_ =	shalt  }
0x67: {  	_ =	shalt  }
0x68: {  	_ =	shalt  }
0x69: {  	_ =	shalt  }
0x6a: {  	_ =	shalt  }
0x6b: {  	_ =	shalt  }
0x6c: {  	_ =	shalt  }
0x6d: {  	_ =	shalt  }
0x6e: {  	_ =	shalt  }
0x6f: {  	_ =	shalt  }
0x70: {  	_ =	shalt  }
0x71: {  	_ =	shalt  }
0x72: {  	_ =	shalt  }
0x73: {  	_ =	shalt  }
0x74: {  	_ =	shalt  }
0x75: {  	_ =	shalt  }
0x76: {  	_ =	shalt  }
0x77: {  	_ =	shalt  }
0x78: {  	_ =	shalt  }
0x79: {  	_ =	shalt  }
0x7a: {  	_ =	shalt  }
0x7b: {  	_ =	shalt  }
0x7c: {  	_ =	shalt  }
0x7d: {  	_ =	shalt  }
0x7e: {  	_ =	shalt  }
0x7f: {  	_ =	shalt  }
0x80: {  	_ =	shalt  }
0x81: {  	_ =	shalt  }
0x82: {  	_ =	shalt  }
0x83: {  	_ =	shalt  }
0x84: {  	_ =	shalt  }
0x85: {  	_ =	shalt  }
0x86: {  	_ =	shalt  }
0x87: {  	_ =	shalt  }
.Lfunc_end0:
.L_simem_size_0:
called_computation_lowered:
.L_overlay_start_0:
0x88: {  	s2 =	sld [smem:$0x3FD9]  }
0x89: {  	s3 =	sld [smem:$0x3FFE];
	_ =	sdelay $0x1  }
0x8a: {  	s1 =	srdreg.scid  }
0x8b: {  	s0 =	sand.u32 $0x1, s1  }
0x8c: {  	s18 =	sshll.u32 s0, $0xA;
	s2 =	sadd.s32 s3, s2  }
0x8d: {  	s2 =	sadd.s32 s2, s18  }
0x8e: {  	[smem:$0x3FC0] =	sst s2  }
0x8f: {  	_ = 	snop  }
0x90: {  	s2 =	sld [smem:$0x3FC9]  }
0x91: {  	s19 =	sld [smem:$0x3FC8]  }
0x92: {  	s4 =	sld [smem:$0x3FC7]  }
0x93: {  	s5 =	sld [smem:$0x3FC6]  }
0x94: {  	s6 =	sld [smem:$0x3FC5]  }
0x95: {  	s7 =	sld [smem:$0x3FC4]  }
0x96: {  	s8 =	sld [smem:$0x3FC3]  }
0x97: {  	s9 =	sld [smem:$0x3FC2]  }
0x98: {  	s10 =	sld [smem:$0x3FD0];
	(tm) =	ssettm $0x1  }
0x99: {  	s11 =	sld [smem:$0x3FFB];
	_ =	sdelay $0x3  }
0x9a: {  	_ =	strace s11  }
0x9b: {  	s11 =	sld [smem:$0x3FFC];
	_ =	sdelay $0x3  }
0x9c: {  	_ =	strace s11  }
0x9d: {  	s11 =	sld [smem:$0x3FFD];
	_ =	sdelay $0x3  }
0x9e: {  	_ =	strace s11  }
0x9f: {  	_ =	strace $0x8FFFFFFF  }
0xa0: {  	s20 =	sld [smem:$0x3FDB];
	_ =	sdelay $0x1  }
0xa1: {  	s12 =	simm.s32 $_scs_section_size  }
0xa2: {  	s13 =	simm.s32 $_size__tile_overlayer_lowered;
	s14 =	simm.s32 $_tile_overlayer_lowered  }
0xa3: {  	s23 =	simm.s32 $0x1BFF;
	s22 =	sshll.u32 s14, $0x1;
	s11 =	sadd.s32 s12, s20  }
0xa4: {  	s15 =	simm.s32 $0x0;
	s21 =	sshll.u32 s13, $0x1;
	s13 =	sadd.s32 s22, s11  }
0xa5: {  	[timem:s15], [sflag:s23] =	dma.local [hbm:s13], s21  }
0xa6: {  	_ =	swait.ge [sflag:s23], s21  }
0xa7: {  	s12 =	ssub.s32 $0x0, s21;
	[sflag:s23] =	ssyncset.done $0x0  }
0xa8: {  	[sflag:s23] =	ssyncadd.s32 s12;
	_ =	sdelay $0x1  }
0xa9: {  	s24 =	simm.s32 $0x1B8B  }
0xaa: {  	_ =	swait.ge [sflag:s24], $0x1  }
0xab: {  	[sflag:s24] =	ssyncset.done $0x0  }
0xac: {  	s25 =	simm.s32 $0x1B8E;
	[sflag:s24] =	ssyncadd.s32 $0xFFFFFFFF  }
0xad: {  	s26 =	simm.s32 $execute0_lowered;
	[smem:$0x3FD2] =	sst s25  }
0xae: {  	s12 =	sshll.u32 s26, $0x1;
	_ =	strace $0x80000046;
	[dreg:$0x1] =	wrdreg $0xFFFFFFFF  }
0xaf: {  	s28 =	simm.s32 $_size_execute0_lowered;
	s11 =	sadd.s32 s11, s12;
	[dreg:$0x0] =	wrdreg $0x0  }
0xb0: {  	s12 =	sshll.u32 s28, $0x1;
	[dreg:$0x2] =	wrdreg s11  }
0xb1: {  	[dreg:$0x3] =	wrdreg s12  }
0xb2: {  	[dreg:$0x4] =	wrdreg $0xC0  }
0xb3: {  	_ =	task [dreg:s15], $0x5FFFF  }
0xb4: {  	[dreg:$0x1] =	wrdreg $0xFFFFFFFF  }
0xb5: {  	[dreg:$0x0] =	wrdreg $0x60  }
0xb6: {  	[dreg:$0x2] =	wrdreg s2  }
0xb7: {  	[dreg:$0x3] =	wrdreg s19  }
0xb8: {  	[dreg:$0x4] =	wrdreg s4  }
0xb9: {  	[dreg:$0x5] =	wrdreg s5  }
0xba: {  	[dreg:$0x6] =	wrdreg s6  }
0xbb: {  	[dreg:$0x7] =	wrdreg s7  }
0xbc: {  	[dreg:$0x8] =	wrdreg s8  }
0xbd: {  	[dreg:$0x9] =	wrdreg s9  }
0xbe: {  	[dreg:$0xa] =	wrdreg s10  }
0xbf: {  	[dreg:$0xb] =	wrdreg $0x9  }
0xc0: {  	_ =	task.clear_ibuf [dreg:s15], $0xCFFFF;
	_ =	strace $0x90000046  }
0xc1: {  	s29 =	simm.s32 $0x9;
	_ =	strace $0x80000048  }
0xc2: {  	_ =	swait.ge [sflag:s29], $0x1  }
0xc3: {  	[sflag:s29] =	ssyncadd.s32 $0xFFFFFFFF  }
0xc4: {  	_ =	strace $0x90000048  }
0xc5: {  	_ =	sfence  }
0xc6: {  	s30 =	sld [smem:$0x0];
	_ =	sdelay $0x2  }
0xc7: {  	s31 =	sshll.u32 s1, $0xD;
	s1 =	sshrl.u32 s1, $0x2  }
0xc8: {  	s3 =	sand.u32 $0x4000, s31;
	s1 =	sadd.s32 s1, s30  }
0xc9: {  	s0 =	sor.u32 s3, s0;
	s1 =	sshll.u32 s1, $0x11  }
0xca: {  	s0 =	sor.u32 s1, s0  }
0xcb: {  	s0 =	sadd.s32 $0x8F2B, s0  }
0xcc: {  	[sflag:s0] =	ssyncadd.remote.s32 $0x1  }
0xcd: {  	_ =	sfence.sel $0xFFFF  }
0xce: {  	[dreg:$0x0] =	wrdreg $0xFFFFFFFF;
	(pc) =	sbr.abs _section_cstart, $3  }
0xcf: {  	[dreg:$0x1] =	wrdreg $0xFFFFFFFF  }
0xd0: {  	_ =	task.clear_ibuf [dreg:s15], $0x2FFFF;
	_ =	strace $0x9FFFFFFF  }
0xd1: {  	(tm) =	ssettm $0x7FFFFFFF  }
tec
execute0_lowered:
.L_overlay_start_1:
0x0: {  	(tag) =	ssettag $0x1  }
0x1: {  	s0 =	rddreg [dreg:$0x0]  }
0x2: {  	s1 =	rddreg [dreg:$0x1]  }
0x3: {  	s2 =	rddreg [dreg:$0x2]  }
0x4: {  	s3 =	srdreg.scid;
	s4 =	stileid.u32  }
0x5: {  	s10 =	rddreg [dreg:$0x8];
	s12 =	simm.s32 $0x0;
	s19 =	simm.s32 $0xC400  }
0x6: {  	s20 =	simm.s32 $0xC480;
	s3 =	sand.u32 $0x1, s3;
	s4 =	sshll.u32 s4, $0x1  }
0x7: {  	s25 =	simm.s32 $0x3;
	s28 =	simm.s32 $0x18D80;
	s11 =	sor.u32 s3, s4  }
0x8: {  	s29 =	simm.s32 $0x2;
	s30 =	simm.s32 $0x1A680;
	s4 =	smul.u32 $0x320, s11  }
0x9: {  	[smem:$0x7FF] =	sst s12;
	s3 =	ssub.s32 $0x2, s3;
	s6 =	smul.u32 $0x640, s11  }
.Ltmp0:
0xa: {  	_ =	strace $0x80000047;
	s26 =	sadd.s32 s0, s4;
	(pc) =	sbr.rel .LBB2_1-.Ltmp0, $4  }
0xb: {  	s5 =	sshrl.u32 s3, $0x1;
	s31 =	sadd.s32 s1, s6;
	[dreg:$0xa] =	wrdreg s26  }
0xc: {  	s3 =	ssub.s32 s3, s5;
	s4 =	sadd.s32 s2, s4;
	[dreg:$0xb] =	wrdreg s31  }
0xd: {  	s16 =	sor.u32 $0x40, s11;
	s3 =	smax.u32 s3, $0x1;
	[dreg:$0xc] =	wrdreg s4  }
0xe: {  	v0 =	vimm.f32 $0.0e+00;
	s5 =	simm.s32 $0x0;
	[dreg:$0xd] =	wrdreg s3;
	s26 =	simm.s32 $0x1  }
.LBB2_19:
0xf: {  	_ =	swait.ge [sflag:s25], $0x1900  }
0x10: {  	[sflag:s25] =	ssyncset.done $0x0  }
0x11: {  	s4 =	simm.s32 $0x4;
	[sflag:s25] =	ssyncadd.s32 $0xFFFFE700  }
0x12: {  	_ =	swait.ge [sflag:s4], $0x1900  }
0x13: {  	s5 =	rddreg [dreg:$0xe]  }
0x14: {  	s3 =	rddreg [dreg:$0xd];
	s5 =	sadd.s32 $0x1, s5  }
0x15: {  	p0 =	sne.s32 s5, s3  }
.Ltmp1:
0x16: {  	_ = 	snop;
	(pc) =	sbr.rel @!p0 .LBB2_20-.Ltmp1, $3  }
0x17: {  	_ =	sdelay $0x1  }
0x18: {  	[sflag:s4] =	ssyncset.done $0x0  }
0x19: {  	[sflag:s4] =	ssyncadd.s32 $0xFFFFE700  }
.LBB2_1:
0x1a: {  	[dreg:$0xe] =	wrdreg s5  }
0x1b: {  	s3 =	rddreg [dreg:$0x3]  }
0x1c: {  	[tilespmem:s12], [sflag:$0x3] =	stream.linear.gather [hbm4b:s3+s12], $0xC380, $0x38;
	[tilespmem:$0x1BF80] =	vst v63  }
0x1d: {  	s9 =	rddreg [dreg:$0x4];
	s4 =	simm.s32 $0xC380  }
0x1e: {  	[tilespmem:s4], [sflag:$0x3] =	stream.linear.gather [hbm4b:s9+s12], $0x80, $0x38;
	[tilespmem:$0x1BF80] =	vst v63  }
0x1f: {  	s13 =	rddreg [dreg:$0x5]  }
0x20: {  	[tilespmem:s19], [sflag:$0x3] =	stream.linear.gather [hbm4b:s13+s12], $0x80, $0x38;
	[tilespmem:$0x1BF80] =	vst v63  }
0x21: {  	s14 =	rddreg [dreg:$0x6]  }
0x22: {  	[tilespmem:s20], [sflag:$0x3] =	stream.linear.gather [hbm4b:s14+s12], $0x80, $0x38;
	[tilespmem:$0x1BF80] =	vst v63  }
0x23: {  	s15 =	rddreg [dreg:$0x7];
	s17 =	simm.s32 $0xC500  }
0x24: {  	[tilespmem:s17], [sflag:$0x3] =	stream.linear.gather [hbm4b:s15+s12], $0x80, $0x38;
	[tilespmem:$0x1BF80] =	vst v63  }
0x25: {  	s18 =	rddreg [dreg:$0xa];
	s21 =	simm.s32 $0x11080  }
0x26: {  	[tilespmem:s21], [sflag:$0x1] =	stream.linear.gather [hbm4b:s18+s12], $0x1900, $0x38;
	[tilespmem:$0x1BF80] =	vst v63  }
0x27: {  	s22 =	rddreg [dreg:$0xb];
	s23 =	simm.s32 $0xC580  }
0x28: {  	[tilespmem:s23], [sflag:$0x1] =	stream.linear.gather [hbm4b:s22+s12], $0x3200, $0x38;
	[tilespmem:$0x1BF80] =	vst v63  }
0x29: {  	s24 =	rddreg [dreg:$0xc];
	s31 =	simm.s32 $0xF780  }
0x2a: {  	[tilespmem:s31], [sflag:$0x1] =	stream.linear.gather [hbm4b:s24+s12], $0x1900, $0x38;
	[tilespmem:$0x1BF80] =	vst v63  }
0x2b: {  	_ =	swait.ge [sflag:s25], $0xC380  }
0x2c: {  	[sflag:s25] =	ssyncset.done $0x0  }
0x2d: {  	[sflag:s25] =	ssyncadd.s32 $0xFFFF3C80  }
0x2e: {  	_ =	swait.ge [sflag:s25], $0x80  }
0x2f: {  	[sflag:s25] =	ssyncset.done $0x0  }
0x30: {  	[sflag:s25] =	ssyncadd.s32 $0xFFFFFF80  }
0x31: {  	_ =	swait.ge [sflag:s25], $0x80  }
0x32: {  	[sflag:s25] =	ssyncset.done $0x0  }
0x33: {  	[sflag:s25] =	ssyncadd.s32 $0xFFFFFF80  }
0x34: {  	_ =	swait.ge [sflag:s25], $0x80  }
0x35: {  	[sflag:s25] =	ssyncset.done $0x0  }
0x36: {  	[sflag:s25] =	ssyncadd.s32 $0xFFFFFF80  }
0x37: {  	_ =	swait.ge [sflag:s25], $0x80  }
0x38: {  	[sflag:s25] =	ssyncset.done $0x0  }
0x39: {  	[sflag:s25] =	ssyncadd.s32 $0xFFFFFF80  }
0x3a: {  	v1 =	vld [tilespmem:$0xC380];
	_ =	sdelay $0x7  }
0x3b: {  	v2 =	vld.idx.msk [tilespmem:v1+s12+$0x0], $0xffff;
	_ =	sdelay $0x4  }
0x3c: {  	v2 =	vor.u32 $0x40000000, v2  }
0x3d: {  	[tilespmem:v1+s12+$0x0] =	vst.idx.msk $0xffff, v2  }
0x3e: {  	v1 =	vld [tilespmem:$0xC390];
	_ =	sdelay $0x7  }
0x3f: {  	v2 =	vld.idx.msk [tilespmem:v1+s12+$0x0], $0xffff;
	_ =	sdelay $0x4  }
0x40: {  	v2 =	vor.u32 $0x40000000, v2  }
0x41: {  	[tilespmem:v1+s12+$0x0] =	vst.idx.msk $0xffff, v2  }
0x42: {  	v1 =	vld [tilespmem:$0xC3A0];
	_ =	sdelay $0x7  }
0x43: {  	v2 =	vld.idx.msk [tilespmem:v1+s12+$0x0], $0xffff;
	_ =	sdelay $0x4  }
0x44: {  	v2 =	vor.u32 $0x40000000, v2  }
0x45: {  	[tilespmem:v1+s12+$0x0] =	vst.idx.msk $0xffff, v2  }
0x46: {  	v1 =	vld [tilespmem:$0xC3B0];
	_ =	sdelay $0x7  }
0x47: {  	v2 =	vld.idx.msk [tilespmem:v1+s12+$0x0], $0xffff;
	_ =	sdelay $0x4  }
0x48: {  	v2 =	vor.u32 $0x40000000, v2  }
0x49: {  	[tilespmem:v1+s12+$0x0] =	vst.idx.msk $0xffff, v2  }
0x4a: {  	v1 =	vld [tilespmem:$0xC500]  }
0x4b: {  	v2 =	vld [tilespmem:$0xC400];
	_ =	sdelay $0x1  }
.Ltmp2:
0x4c: {  	_ = 	snop;
	(pc) =	sbr.rel .LBB2_2-.Ltmp2, $4  }
0x4d: {  	_ = 	snop  }
0x4e: {  	vm0 =	veq.s32 v1, $0x0  }
0x4f: {  	v1 =	vsel vm0, $0x7FFFFFFF, v2  }
0x50: {  	s5 =	simm.s32 $0x0;
	[tilespmem:$0xC400] =	vst v1  }
.LBB2_16:
0x51: {  	v17 =	vand.u32 $0x3FFFFFFF, v11;
	vm0 =	veq.s32 v14, v2  }
0x52: {  	vm1 =	veq.s32 v14, v1;
	v61 =	vand.u32 $0x3FFFFFFF, v12;
	vm4 =	veq.s32 v16, v2  }
0x53: {  	vm5 =	veq.s32 v16, v1;
	vm8 =	veq.s32 v15, v2;
	vm9 =	veq.s32 v15, v1  }
0x54: {  	v62 =	vand.u32 $0x3FFFFFFF, v13;
	vm10 =	veq.s32 v17, v2;
	vm7 =	vmand vm8, vm7  }
0x55: {  	vm9 =	vmand vm9, vm2;
	vm11 =	veq.s32 v17, v1;
	vm14 =	veq.s32 v61, v1  }
0x56: {  	vm15 =	veq.s32 v62, v1;
	v1 =	vor.u32 v10, v8;
	vm7 =	vmor vm7, vm9  }
0x57: {  	vm6 =	vmand vm10, vm6;
	vm9 =	vmand vm14, vm0;
	v1 =	vand.u32 $0x40000000, v1  }
0x58: {  	vm14 =	vmand vm15, vm4;
	vm15 =	vmor vm10, vm3;
	vm10 =	vne.s32 v1, $0x0;
	v1 =	vld [tilespmem:$0x1FFC0];
	_ =	sdelay $0x1  }
0x59: {  	v63 =	vor.u32 v13, v7;
	vm12 =	veq.s32 v61, v2;
	vm11 =	vmand vm11, vm3  }
0x5a: {  	vm13 =	vmor vm8, vm2;
	vm6 =	vmor vm6, vm11;
	vm11 =	veq.s32 v62, v2  }
0x5b: {  	vm1 =	vmand vm12, vm1;
	v2 =	vor.u32 v11, v6;
	vm5 =	vmand vm11, vm5  }
0x5c: {  	vm4 =	vmor vm11, vm4;
	vm11 =	vnez.u8 v1;
	v1 =	vand.u32 $0x40000000, v2;
	v2 =	vld [tilespmem:$0x1FFD0]  }
0x5d: {  	vm0 =	vmor vm12, vm0;
	vm1 =	vmor vm1, vm9;
	vm2 =	vmxor vm13, vm7  }
0x5e: {  	vm3 =	vmxor vm15, vm6;
	vm0 =	vmxor vm0, vm1;
	vm5 =	vmor vm5, vm14  }
0x5f: {  	vm9 =	vmxor vm4, vm5;
	vm2 =	vmand vm11, vm2;
	vm3 =	vmand vm11, vm3  }
0x60: {  	vm0 =	vmand vm11, vm0;
	vm1 =	vmand vm11, vm9;
	vm13 =	vne.s32 v1, $0x0  }
0x61: {  	vm12 =	vnez.u8 v2;
	v2 =	vor.u32 v12, v4;
	v4 =	vand.u32 $0x40000000, v63  }
0x62: {  	v1 =	vld [tilespmem:s7+$0x10];
	vm4 =	vmand vm12, vm10;
	v2 =	vand.u32 $0x40000000, v2;
	vm15 =	vne.s32 v4, $0x0  }
0x63: {  	vm2 =	vmor vm4, vm2;
	vm4 =	vmand vm12, vm13;
	vm14 =	vne.s32 v2, $0x0  }
0x64: {  	vm3 =	vmor vm4, vm3;
	v2 =	vnsel vm2, $0xCE6E6B28, v3;
	vm4 =	vmand vm12, vm14  }
0x65: {  	vm2 =	vmand vm12, vm15;
	vm0 =	vmor vm4, vm0;
	v3 =	vnsel vm3, $0xCE6E6B28, v5;
	[tilespmem:s9+$0xFFFFFFE0] =	vst v2  }
0x66: {  	vm1 =	vmor vm2, vm1;
	v2 =	vnsel vm0, $0xCE6E6B28, v9;
	[tilespmem:s9+$0xFFFFFFF0] =	vst v3  }
0x67: {  	v1 =	vnsel vm1, $0xCE6E6B28, v1;
	[tilespmem:s9+$0x0] =	vst v2  }
0x68: {  	[tilespmem:s9+$0x10] =	vst v1  }
.LBB2_17:
0x69: {  	s3 =	smul.u32 $0x320, s3;
	_ =	sdelay $0x1  }
0x6a: {  	s3 =	sadd.s32 s10, s3  }
0x6b: {  	[hbm4b:s3+s12] =	stream.linear.scatter [tilespmem:s30], [sflag:$0x4], $0x1900, $0x38;
	[tilespmem:$0x1BF80] =	vst v63  }
.LBB2_18:
0x6c: {  	s5 =	sadd.s32 $0x1, s5  }
0x6d: {  	p0 =	sne.s32 s5, $0x4  }
.Ltmp3:
0x6e: {  	_ = 	snop;
	(pc) =	sbr.rel @!p0 .LBB2_19-.Ltmp3, $1  }
0x6f: {  	_ =	sdelay $0x3  }
.LBB2_2:
0x70: {  	s4 =	sshll.u32 s5, $0x6  }
0x71: {  	s6 =	sor.u32 s11, s4  }
0x72: {  	s3 =	sor.u32 $0x20, s6  }
0x73: {  	p1 =	sgt.u32 s3, $0xF9  }
0x74: {  	s7 =	smul.u32 @!p1 $0x320, s3  }
0x75: {  	s18 =	simm.s32 @!p1 $0x0  }
0x76: {  	s21 =	simm.s32 @!p1 $0x17480;
	s22 =	smul.u32 @!p1 $0x640, s3;
	s9 =	sadd.s32 @!p1 s0, s7  }
0x77: {  	[tilespmem:s21], [sflag:$0x2] =	stream.linear.gather @!p1 [hbm4b:s9+s18], $0x1900, $0x38;
	[tilespmem:$0x1BF80] =	vst v63  }
0x78: {  	s9 =	sadd.s32 @!p1 s1, s22;
	s21 =	simm.s32 @!p1 $0x12980  }
0x79: {  	[tilespmem:s21], [sflag:$0x2] =	stream.linear.gather @!p1 [hbm4b:s9+s18], $0x3200, $0x38;
	[tilespmem:$0x1BF80] =	vst v63  }
0x7a: {  	s7 =	sadd.s32 @!p1 s2, s7;
	s9 =	simm.s32 @!p1 $0x15B80  }
0x7b: {  	[tilespmem:s9], [sflag:$0x2] =	stream.linear.gather @!p1 [hbm4b:s7+s18], $0x1900, $0x38;
	[tilespmem:$0x1BF80] =	vst v63  }
0x7c: {  	_ =	swait.ge [sflag:s26], $0x1900  }
0x7d: {  	[sflag:s26] =	ssyncset.done $0x0  }
0x7e: {  	[sflag:s26] =	ssyncadd.s32 $0xFFFFE700  }
0x7f: {  	_ =	swait.ge [sflag:s26], $0x3200  }
0x80: {  	[sflag:s26] =	ssyncset.done $0x0  }
0x81: {  	[sflag:s26] =	ssyncadd.s32 $0xFFFFCE00  }
0x82: {  	_ =	swait.ge [sflag:s26], $0x1900  }
0x83: {  	p0 =	seq.s32 s5, $0x0;
	[sflag:s26] =	ssyncset.done $0x0  }
0x84: {  	s7 =	simm.s32 @!p0 $0x3;
	[sflag:s26] =	ssyncadd.s32 $0xFFFFE700  }
0x85: {  	_ =	swait.ge @!p0 [sflag:s7], $0x1900  }
0x86: {  	[sflag:s7] =	ssyncset.done @!p0 $0x0  }
0x87: {  	[sflag:s7] =	ssyncadd.s32 @!p0 $0xFFFFE700  }
0x88: {  	v1 =	vld [tilespmem:$0xF780]  }
0x89: {  	v2 =	vld [tilespmem:$0x11070];
	_ =	sdelay $0x4  }
0x8a: {  	vm0 =	veq.s32 v1, v2  }
0x8b: {  	v2 =	vsel vm0, $0x3F800000, v0  }
0x8c: {  	(xrf0) =	vmin.scan.msk.f32 $0xffff, v2;
	_ =	sdelay $0x5  }
0x8d: {  	v2, _, _ =	vpop (xrf0)  }
0x8e: {  	(v2sf) =	vpush v2, $0xF;
	_ =	sdelay $0xe  }
0x8f: {  	s31 =	spop (v2sf)  }
0x90: {  	p2 =	sgt.f32 s31, $0.0e+00  }
.Ltmp4:
0x91: {  	_ = 	snop;
	(pc) =	sbr.rel @p2 .LBB2_6-.Ltmp4, $1  }
0x92: {  	_ =	sdelay $0x3  }
0x93: {  	s8 =	simm.s32 $0x0  }
0x94: {  	s21 =	simm.s32 $0x0;
	s9 =	simm.s32 $0xF780;
	s13 =	sand.u32 $0x60, s8  }
0x95: {  	s14 =	sand.u32 $0x3F00, s21;
	s8 =	sand.u32 $0x1F80, s8;
	s15 =	sor.u32 $0x10, s13  }
0x96: {  	v1 =	vld [tilespmem:s9+$0x0];
	s24 =	sadd.s32 $0xC580, s14;
	s21 =	sor.u32 s8, s15  }
0x97: {  	s31 =	sor.u32 s15, s24;
	v2 =	vld [tilespmem:s21+$0xF780]  }
0x98: {  	v3 =	vld [tilespmem:s31+$0x0]  }
0x99: {  	s17 =	simm.s32 $0x20;
	s23 =	simm.s32 $0x40;
	s14 =	sor.u32 s13, s24;
	v4 =	vld [tilespmem:s31+$0x80]  }
0x9a: {  	s22 =	sand.u32 $0x60, s17;
	s9 =	sand.u32 $0x3F00, s23;
	v5 =	vld [tilespmem:s14+$0x0]  }
0x9b: {  	s15 =	simm.s32 $0xF7A0;
	s24 =	sor.u32 $0x10, s22;
	s8 =	sand.u32 $0x1F80, s17;
	v6 =	vld [tilespmem:s14+$0x80]  }
0x9c: {  	v7 =	vld [tilespmem:s15+$0x0];
	s31 =	sadd.s32 $0xC580, s9;
	s9 =	sor.u32 s8, s24  }
0x9d: {  	v13 =	vld [tilespmem:s9+$0xF780];
	s14 =	sor.u32 s24, s31  }
0x9e: {  	v16 =	vld [tilespmem:s14+$0x0]  }
0x9f: {  	v8 =	vld.idx.msk [tilespmem:v1+s19+$0x0], $0xffff  }
0xa0: {  	v9 =	vld.idx.msk [tilespmem:v2+s19+$0x0], $0xffff  }
0xa1: {  	v3 =	vld.idx.msk [tilespmem:v3+s12+$0x0], $0xffff  }
0xa2: {  	v4 =	vld.idx.msk [tilespmem:v4+s12+$0x0], $0xffff  }
0xa3: {  	v2 =	vld.idx.msk [tilespmem:v2+s20+$0x0], $0xffff  }
0xa4: {  	v6 =	vld.idx.msk [tilespmem:v6+s12+$0x0], $0xffff  }
0xa5: {  	v5 =	vld.idx.msk [tilespmem:v5+s12+$0x0], $0xffff  }
0xa6: {  	v10 =	vld.idx.msk [tilespmem:v1+s20+$0x0], $0xffff;
	v14 =	vand.u32 $0x3FFFFFFF, v8  }
0xa7: {  	v11 =	vld [tilespmem:s21+$0x11080];
	vm14 =	vgt.s32 v8, $0x3FFFFFFF;
	v1 =	vand.u32 $0x3FFFFFFF, v9;
	v12 =	vand.u32 $0x3FFFFFFF, v3  }
0xa8: {  	v16 =	vld.idx.msk [tilespmem:v16+s12+$0x0], $0xffff;
	v15 =	vand.u32 $0x3FFFFFFF, v4;
	vm0 =	vgt.s32 v9, $0x3FFFFFFF;
	v3 =	vor.u32 v3, v4  }
0xa9: {  	v17 =	vand.u32 $0x3FFFFFFF, v6;
	vm1 =	veq.s32 v12, v1;
	vm3 =	veq.s32 v12, v2;
	v12 =	vld [tilespmem:s14+$0x80]  }
0xaa: {  	s13 =	sor.u32 s22, s31;
	v8 =	vld.idx.msk [tilespmem:v13+s20+$0x0], $0xffff;
	vm2 =	veq.s32 v15, v1;
	vm4 =	veq.s32 v15, v2;
	v2 =	vand.u32 $0x3FFFFFFF, v5  }
0xab: {  	v9 =	vld [tilespmem:s13+$0x0];
	vm5 =	veq.s32 v17, v10;
	v3 =	vand.u32 $0x40000000, v3;
	v5 =	vor.u32 v5, v6  }
0xac: {  	s18 =	simm.s32 $0x11080;
	v4 =	vld [tilespmem:s13+$0x80];
	vm4 =	vmand vm1, vm4;
	vm3 =	vmand vm3, vm2;
	vm1 =	vmor vm1, vm2  }
0xad: {  	s15 =	simm.s32 $0xF7C0;
	v15 =	vld [tilespmem:s18+$0x0];
	vm12 =	veq.s32 v2, v10;
	vm13 =	vne.s32 v3, $0x0;
	vm2 =	vmor vm4, vm3  }
0xae: {  	v1 =	vld [tilespmem:s15+$0x0];
	v3 =	vand.u32 $0x40000000, v5;
	vm1 =	vmxor vm1, vm2;
	vm2 =	vmneg vm0  }
0xaf: {  	s22 =	simm.s32 $0x40;
	vm3 =	veq.s32 v17, v14;
	vm1 =	vmand vm2, vm1;
	vm2 =	veq.s32 v2, v14;
	v2 =	vld.idx.msk [tilespmem:v7+s19+$0x0], $0xffff  }
0xb0: {  	s23 =	simm.s32 $0x80;
	s17 =	sand.u32 $0x60, s22;
	vm4 =	vmand vm12, vm3;
	v14 =	vld.idx.msk [tilespmem:v13+s19+$0x0], $0xffff;
	vm3 =	vmor vm2, vm3;
	vm2 =	vmand vm2, vm5  }
0xb1: {  	s31 =	sand.u32 $0x1F80, s22;
	s24 =	sor.u32 $0x10, s17;
	s18 =	sand.u32 $0x3F00, s23;
	vm6 =	vne.s32 v3, $0x0;
	vm2 =	vmor vm2, vm4;
	v63 =	vld.idx.msk [tilespmem:v12+s12+$0x0], $0xffff  }
0xb2: {  	v6 =	vld [tilespmem:s9+$0x11080];
	s13 =	sadd.s32 $0xC580, s18;
	s18 =	sor.u32 s31, s24;
	vm0 =	vmand vm0, vm13;
	vm2 =	vmxor vm3, vm2;
	vm3 =	vmneg vm14  }
0xb3: {  	v5 =	vld [tilespmem:s18+$0xF780];
	vm0 =	vmor vm0, vm1;
	vm4 =	vmand vm14, vm6;
	vm2 =	vmand vm3, vm2  }
0xb4: {  	v3 =	vld.idx.msk [tilespmem:v9+s12+$0x0], $0xffff;
	v9 =	vnsel vm0, $0xCE6E6B28, v11;
	vm1 =	vmor vm4, vm2;
	v10 =	vand.u32 $0x3FFFFFFF, v2  }
0xb5: {  	v7 =	vld.idx.msk [tilespmem:v7+s20+$0x0], $0xffff;
	v13 =	vand.u32 $0x3FFFFFFF, v14;
	v11 =	vnsel vm1, $0xCE6E6B28, v15;
	v15 =	vand.u32 $0x3FFFFFFF, v16  }
0xb6: {  	s14 =	sor.u32 s24, s13;
	v4 =	vld.idx.msk [tilespmem:v4+s12+$0x0], $0xffff;
	vm1 =	vgt.s32 v14, $0x3FFFFFFF;
	vm0 =	veq.s32 v15, v13;
	v18 =	vand.u32 $0x3FFFFFFF, v63  }
0xb7: {  	v12 =	vld [tilespmem:s14+$0x0];
	vm3 =	veq.s32 v15, v8;
	vm2 =	veq.s32 v18, v13;
	vm15 =	veq.s32 v18, v8  }
0xb8: {  	s8 =	sor.u32 s17, s13;
	v14 =	vor.u32 v16, v63;
	v13 =	vld [tilespmem:s14+$0x80];
	vm4 =	vmand vm0, vm15;
	vm3 =	vmand vm3, vm2  }
0xb9: {  	[tilespmem:s21+$0x18D80] =	vst v9;
	v9 =	vld [tilespmem:s8+$0x80];
	v14 =	vand.u32 $0x40000000, v14;
	vm0 =	vmor vm0, vm2;
	vm2 =	vmor vm4, vm3  }
0xba: {  	s7 =	simm.s32 $0x18D80;
	s21 =	simm.s32 $0x110A0;
	v8 =	vld [tilespmem:s8+$0x0];
	vm3 =	vmneg vm1;
	vm0 =	vmxor vm0, vm2;
	vm2 =	vne.s32 v14, $0x0  }
0xbb: {  	s24 =	simm.s32 $0xF7E0;
	[tilespmem:s7+$0x0] =	vst v11;
	v11 =	vld [tilespmem:s21+$0x0];
	v14 =	vand.u32 $0x3FFFFFFF, v3;
	vm0 =	vmand vm3, vm0;
	vm1 =	vmand vm1, vm2  }
.LBB2_4:
0xbc: {  	v15 =	vld [tilespmem:s24+$0x0];
	v16 =	vand.u32 $0x3FFFFFFF, v4;
	vm2 =	veq.s32 v14, v10;
	vm0 =	vmor vm1, vm0  }
0xbd: {  	vm3 =	veq.s32 v14, v7;
	v17 =	vld.idx.msk [tilespmem:v1+s19+$0x0], $0xffff;
	vm1 =	veq.s32 v16, v10;
	v6 =	vnsel vm0, $0xCE6E6B28, v6  }
0xbe: {  	v3 =	vor.u32 v3, v4;
	vm0 =	veq.s32 v16, v7;
	v14 =	vld.idx.msk [tilespmem:v5+s19+$0x0], $0xffff;
	vm3 =	vmand vm3, vm1;
	[tilespmem:s9+$0x18D80] =	vst v6;
	s9 =	smov.u32 s18  }
0xbf: {  	v3 =	vand.u32 $0x40000000, v3;
	vm1 =	vmor vm2, vm1;
	vm0 =	vmand vm2, vm0;
	v16 =	vld.idx.msk [tilespmem:v12+s12+$0x0], $0xffff  }
0xc0: {  	vm2 =	vne.s32 v3, $0x0;
	vm0 =	vmor vm0, vm3;
	vm3 =	vgt.s32 v2, $0x3FFFFFFF;
	v18 =	vld.idx.msk [tilespmem:v13+s12+$0x0], $0xffff  }
0xc1: {  	vm0 =	vmxor vm1, vm0;
	vm1 =	vmneg vm3;
	vm2 =	vmand vm3, vm2;
	v13 =	vld.idx.msk [tilespmem:v5+s20+$0x0], $0xffff  }
0xc2: {  	s22 =	sadd.s32 $0x20, s22;
	vm0 =	vmand vm1, vm0;
	v3 =	vld.idx.msk [tilespmem:v8+s12+$0x0], $0xffff  }
0xc3: {  	s23 =	sadd.s32 $0x40, s23;
	s7 =	sadd.s32 $0x20, s7;
	s8 =	sand.u32 $0x60, s22;
	vm0 =	vmor vm2, vm0;
	v2 =	vmov v17;
	v4 =	vld.idx.msk [tilespmem:v9+s12+$0x0], $0xffff  }
0xc4: {  	s13 =	sand.u32 $0x3F00, s23;
	s15 =	sand.u32 $0x1F80, s22;
	s14 =	sor.u32 $0x10, s8;
	v5 =	vnsel vm0, $0xCE6E6B28, v11;
	v7 =	vld.idx.msk [tilespmem:v1+s20+$0x0], $0xffff;
	v1 =	vmov v15  }
0xc5: {  	p2 =	slt.u32 s22, $0x18E0;
	s13 =	sadd.s32 $0xC580, s13;
	s18 =	sor.u32 s15, s14;
	v10 =	vand.u32 $0x3FFFFFFF, v2;
	v8 =	vand.u32 $0x3FFFFFFF, v14;
	v9 =	vand.u32 $0x3FFFFFFF, v16;
	v6 =	vld [tilespmem:s9+$0x11080];
	[tilespmem:s7+$0x0] =	vst v5  }
0xc6: {  	s8 =	sor.u32 s8, s13;
	s13 =	sor.u32 s14, s13;
	vm1 =	vgt.s32 v14, $0x3FFFFFFF;
	v11 =	vand.u32 $0x3FFFFFFF, v18;
	vm0 =	veq.s32 v9, v8;
	v5 =	vld [tilespmem:s18+$0xF780]  }
.Ltmp5:
0xc7: {  	vm2 =	veq.s32 v11, v8;
	vm3 =	veq.s32 v9, v13;
	vm4 =	veq.s32 v11, v13;
	v12 =	vld [tilespmem:s13+$0x0];
	(pc) =	sbr.rel @p2 .LBB2_4-.Ltmp5, $4  }
0xc8: {  	v9 =	vor.u32 v16, v18;
	vm4 =	vmand vm0, vm4;
	vm3 =	vmand vm3, vm2;
	v13 =	vld [tilespmem:s13+$0x80]  }
0xc9: {  	vm0 =	vmor vm0, vm2;
	v11 =	vand.u32 $0x40000000, v9;
	vm2 =	vmor vm4, vm3;
	v8 =	vld [tilespmem:s8+$0x0]  }
0xca: {  	s21 =	sadd.s32 $0x20, s21;
	vm3 =	vmneg vm1;
	vm0 =	vmxor vm0, vm2;
	vm2 =	vne.s32 v11, $0x0;
	v9 =	vld [tilespmem:s8+$0x80]  }
0xcb: {  	s24 =	sadd.s32 $0x20, s24;
	v14 =	vand.u32 $0x3FFFFFFF, v3;
	vm0 =	vmand vm3, vm0;
	vm1 =	vmand vm1, vm2;
	v11 =	vld [tilespmem:s21+$0x0]  }
0xcc: {  	_ =	sdelay $0x3  }
0xcd: {  	v15 =	vand.u32 $0x3FFFFFFF, v4;
	vm2 =	veq.s32 v14, v10;
	vm4 =	veq.s32 v14, v7;
	v54 =	vld.idx.msk [tilespmem:v1+s19+$0x0], $0xffff  }
0xce: {  	v3 =	vor.u32 v3, v4;
	v55 =	vld.idx.msk [tilespmem:v5+s19+$0x0], $0xffff;
	vm11 =	vgt.s32 v2, $0x3FFFFFFF;
	vm0 =	vmor vm1, vm0  }
0xcf: {  	v56 =	vld.idx.msk [tilespmem:v12+s12+$0x0], $0xffff;
	vm3 =	veq.s32 v15, v10;
	vm5 =	veq.s32 v15, v7;
	v3 =	vand.u32 $0x40000000, v3  }
0xd0: {  	v2 =	vld.idx.msk [tilespmem:v13+s12+$0x0], $0xffff;
	vm4 =	vmand vm4, vm3;
	vm3 =	vmor vm2, vm3;
	vm2 =	vmand vm2, vm5  }
0xd1: {  	vm13 =	vmneg vm11;
	vm12 =	vne.s32 v3, $0x0;
	v3 =	vld.idx.msk [tilespmem:v5+s20+$0x0], $0xffff;
	vm2 =	vmor vm2, vm4  }
0xd2: {  	v57 =	vnsel vm0, $0xCE6E6B28, v6;
	vm4 =	vmand vm11, vm12;
	vm2 =	vmxor vm3, vm2  }
0xd3: {  	v8 =	vld.idx.msk [tilespmem:v8+s12+$0x0], $0xffff;
	vm2 =	vmand vm13, vm2;
	v59 =	vand.u32 $0x3FFFFFFF, v54;
	v60 =	vand.u32 $0x3FFFFFFF, v55  }
0xd4: {  	v9 =	vld.idx.msk [tilespmem:v9+s12+$0x0], $0xffff;
	v61 =	vand.u32 $0x3FFFFFFF, v56;
	vm8 =	vgt.s32 v55, $0x3FFFFFFF;
	vm14 =	vmor vm4, vm2  }
0xd5: {  	v62 =	vand.u32 $0x3FFFFFFF, v2;
	vm15 =	veq.s32 v61, v60;
	v2 =	vor.u32 v56, v2  }
0xd6: {  	v1 =	vld.idx.msk [tilespmem:v1+s20+$0x0], $0xffff;
	v58 =	vnsel vm14, $0xCE6E6B28, v11;
	vm9 =	veq.s32 v62, v60;
	vm10 =	veq.s32 v61, v3  }
0xd7: {  	vm11 =	veq.s32 v62, v3;
	v2 =	vand.u32 $0x40000000, v2;
	vm14 =	vmneg vm8  }
0xd8: {  	vm4 =	vmand vm15, vm11;
	vm3 =	vmand vm10, vm9;
	vm0 =	vmor vm15, vm9  }
0xd9: {  	vm13 =	vne.s32 v2, $0x0;
	v2 =	vand.u32 $0x3FFFFFFF, v8;
	v3 =	vand.u32 $0x3FFFFFFF, v9  }
0xda: {  	vm11 =	vgt.s32 v54, $0x3FFFFFFF;
	vm12 =	vmor vm4, vm3;
	vm1 =	vmand vm8, vm13  }
0xdb: {  	vm15 =	veq.s32 v3, v59;
	vm8 =	veq.s32 v2, v1;
	vm9 =	veq.s32 v2, v59  }
0xdc: {  	v63 =	vld [tilespmem:s18+$0x11080];
	s8 =	sadd.s32 $0x20, s21;
	vm10 =	veq.s32 v3, v1;
	v2 =	vor.u32 v8, v9;
	vm13 =	vmneg vm11  }
0xdd: {  	v1 =	vld [tilespmem:s8+$0x0];
	vm0 =	vmxor vm0, vm12;
	vm3 =	vmand vm8, vm15;
	vm4 =	vmand vm9, vm10  }
0xde: {  	vm2 =	vmor vm9, vm15;
	v2 =	vand.u32 $0x40000000, v2;
	vm3 =	vmor vm4, vm3  }
.Ltmp6:
0xdf: {  	vm0 =	vmand vm14, vm0;
	vm12 =	vne.s32 v2, $0x0;
	vm2 =	vmxor vm2, vm3;
	(pc) =	sbr.rel .LBB2_9-.Ltmp6, $4  }
0xe0: {  	s7 =	sadd.s32 $0x20, s7;
	[tilespmem:s9+$0x18D80] =	vst v57;
	vm0 =	vmor vm1, vm0;
	vm14 =	vmand vm11, vm12;
	vm2 =	vmand vm13, vm2  }
0xe1: {  	[tilespmem:s7+$0x0] =	vst v58;
	v2 =	vnsel vm0, $0xCE6E6B28, v63;
	vm15 =	vmor vm14, vm2  }
0xe2: {  	s7 =	sadd.s32 $0x20, s7;
	[tilespmem:s18+$0x18D80] =	vst v2;
	v1 =	vnsel vm15, $0xCE6E6B28, v1  }
0xe3: {  	[tilespmem:s7+$0x0] =	vst v1  }
.LBB2_6:
0xe4: {  	_ =	sdelay $0x2  }
0xe5: {  	s7 =	simm.s32 $0x40;
	s9 =	simm.s32 $0x80  }
0xe6: {  	v3 =	vld.idx.msk [tilespmem:v1+s19+$0x0], $0xffff;
	s7 =	sand.u32 $0x70, s7;
	s9 =	sand.u32 $0x7F00, s9  }
0xe7: {  	v1 =	vld.idx.msk [tilespmem:v1+s20+$0x0], $0xffff;
	s18 =	simm.s32 $0x0;
	s21 =	simm.s32 $0x0;
	s7 =	sor.u32 s7, s9  }
0xe8: {  	s17 =	sand.u32 $0x70, s21;
	s22 =	sand.u32 $0x3F00, s18;
	v2 =	vld [tilespmem:s7+$0xC580]  }
0xe9: {  	s23 =	simm.s32 $0x10;
	s24 =	simm.s32 $0x20;
	s9 =	sor.u32 s17, s22;
	v4 =	vld [tilespmem:s7+$0xC600]  }
0xea: {  	s31 =	sand.u32 $0x70, s23;
	s8 =	sand.u32 $0x7F00, s24;
	v5 =	vld [tilespmem:s9+$0xC580]  }
0xeb: {  	s13 =	simm.s32 $0x20;
	s14 =	simm.s32 $0x40;
	s7 =	sor.u32 s31, s8;
	v6 =	vld [tilespmem:s9+$0xC600]  }
0xec: {  	s15 =	sand.u32 $0x70, s13;
	s17 =	sand.u32 $0x7F00, s14;
	v8 =	vld [tilespmem:s7+$0xC580]  }
0xed: {  	s9 =	sor.u32 s15, s17;
	v9 =	vld [tilespmem:s7+$0xC600]  }
0xee: {  	v10 =	vld [tilespmem:s9+$0xC580]  }
0xef: {  	s23 =	simm.s32 $0x30;
	s24 =	simm.s32 $0x60;
	v11 =	vld [tilespmem:s9+$0xC600]  }
0xf0: {  	s31 =	sand.u32 $0x7F00, s24;
	s7 =	sand.u32 $0x70, s23;
	v12 =	vld.idx.msk [tilespmem:v2+s12+$0x0], $0xffff  }
0xf1: {  	s7 =	sor.u32 s7, s31;
	v4 =	vld.idx.msk [tilespmem:v4+s12+$0x0], $0xffff  }
0xf2: {  	v13 =	vld [tilespmem:s7+$0xC580]  }
0xf3: {  	v14 =	vld [tilespmem:s7+$0xC600]  }
0xf4: {  	v5 =	vld.idx.msk [tilespmem:v5+s12+$0x0], $0xffff  }
0xf5: {  	vm0 =	vgt.s32 v3, $0x3FFFFFFF;
	v7 =	vld.idx.msk [tilespmem:v6+s12+$0x0], $0xffff;
	v2 =	vand.u32 $0x3FFFFFFF, v3;
	v3 =	vand.u32 $0x3FFFFFFF, v12  }
0xf6: {  	vm1 =	vmneg vm0;
	v6 =	vld.idx.msk [tilespmem:v8+s12+$0x0], $0xffff;
	v8 =	vand.u32 $0x3FFFFFFF, v4;
	vm2 =	veq.s32 v3, v2  }
0xf7: {  	v9 =	vld.idx.msk [tilespmem:v9+s12+$0x0], $0xffff;
	vm3 =	veq.s32 v8, v2;
	vm4 =	veq.s32 v3, v1;
	vm5 =	veq.s32 v8, v1  }
0xf8: {  	v10 =	vld.idx.msk [tilespmem:v10+s12+$0x0], $0xffff;
	v3 =	vor.u32 v12, v4;
	vm5 =	vmand vm2, vm5;
	vm4 =	vmand vm4, vm3  }
0xf9: {  	s7 =	simm.s32 $0x110A0;
	v11 =	vld.idx.msk [tilespmem:v11+s12+$0x0], $0xffff;
	vm2 =	vmor vm2, vm3;
	v3 =	vand.u32 $0x40000000, v3;
	vm3 =	vmor vm5, vm4  }
0xfa: {  	v8 =	vld [tilespmem:s7+$0x20];
	vm2 =	vmxor vm2, vm3;
	vm3 =	vne.s32 v3, $0x0;
	v3 =	vimm.s32 $0x0  }
0xfb: {  	v12 =	vld.idx.msk [tilespmem:v13+s12+$0x0], $0xffff;
	v3 =	vsel vm1, $0xFFFFFFFF, v3  }
0xfc: {  	v13 =	vld.idx.msk [tilespmem:v14+s12+$0x0], $0xffff;
	[tilespmem:$0x1FFE0] =	vst v3;
	v3 =	vimm.s32 $0x0  }
0xfd: {  	v17 =	vand.u32 $0x3FFFFFFF, v5;
	v3 =	vsel vm0, $0xFFFFFFFF, v3  }
0xfe: {  	v18 =	vand.u32 $0x3FFFFFFF, v7;
	vm2 =	vmand vm1, vm2;
	vm3 =	vmand vm0, vm3;
	[tilespmem:$0x1FFF0] =	vst v3  }
0xff: {  	s9 =	simm.s32 $0x18DA0;
	v15 =	vand.u32 $0x3FFFFFFF, v6;
	v16 =	vand.u32 $0x3FFFFFFF, v9;
	vm3 =	vmor vm3, vm2;
	v3 =	vld [tilespmem:s7+$0xFFFFFFE0]  }
0x100: {  	v14 =	vand.u32 $0x3FFFFFFF, v10;
	vm6 =	veq.s32 v17, v1;
	v19 =	vnsel vm3, $0xCE6E6B28, v8;
	v4 =	vld [tilespmem:s7+$0xFFFFFFF0]  }
0x101: {  	vm8 =	veq.s32 v18, v1;
	vm2 =	veq.s32 v17, v2;
	vm3 =	veq.s32 v18, v2;
	v8 =	vld [tilespmem:s7+$0x0];
	[tilespmem:s9+$0x20] =	vst v19  }
.LBB2_7:
0x102: {  	vm4 =	veq.s32 v15, v2;
	vm5 =	veq.s32 v16, v2  }
0x103: {  	vm12 =	veq.s32 v15, v1;
	vm13 =	veq.s32 v16, v1;
	vm7 =	veq.s32 v14, v2  }
0x104: {  	s24 =	smov.u32 s21;
	s18 =	sadd.s32 $0xA0, s18;
	vm14 =	veq.s32 v14, v1;
	vm8 =	vmand vm2, vm8;
	vm6 =	vmand vm6, vm3  }
0x105: {  	v5 =	vor.u32 v5, v7;
	v6 =	vor.u32 v6, v9;
	vm2 =	vmor vm2, vm3;
	s14 =	sadd.s32 $0x80, s24;
	s24 =	sadd.s32 $0x90, s24;
	s17 =	sadd.s32 $0x80, s18  }
0x106: {  	v18 =	vld [tilespmem:s7+$0x10];
	vm13 =	vmand vm4, vm13;
	vm12 =	vmand vm12, vm5;
	v5 =	vand.u32 $0x40000000, v5;
	s24 =	sand.u32 $0x70, s24;
	s17 =	sand.u32 $0x7F00, s17  }
0x107: {  	s22 =	sadd.s32 $0x60, s21;
	s15 =	sadd.s32 $0x20, s18;
	vm6 =	vmor vm8, vm6;
	vm3 =	vmor vm4, vm5;
	vm5 =	vne.s32 v5, $0x0;
	v5 =	vld [tilespmem:$0x1FFE0];
	s17 =	sor.u32 s24, s17  }
0x108: {  	s23 =	sadd.s32 $0x70, s21;
	s22 =	sand.u32 $0x70, s22;
	v6 =	vand.u32 $0x40000000, v6;
	s15 =	sand.u32 $0x7F00, s15;
	vm8 =	vmor vm13, vm12;
	v15 =	vand.u32 $0x3FFFFFFF, v12;
	v14 =	vld [tilespmem:s17+$0xC580]  }
0x109: {  	s21 =	sadd.s32 $0x50, s21;
	s31 =	sadd.s32 $0x40, s18;
	vm2 =	vmxor vm2, vm6;
	s15 =	sor.u32 s22, s15;
	vm10 =	veq.s32 v15, v2;
	vm0 =	veq.s32 v15, v1;
	v15 =	vld [tilespmem:s17+$0xC600]  }
0x10a: {  	s23 =	sand.u32 $0x70, s23;
	s31 =	sand.u32 $0x7F00, s31;
	v17 =	vand.u32 $0x3FFFFFFF, v11;
	v9 =	vor.u32 v10, v11;
	v10 =	vor.u32 v12, v13;
	v12 =	vld [tilespmem:s15+$0xC580]  }
0x10b: {  	s13 =	sand.u32 $0x70, s21;
	vm6 =	vne.s32 v6, $0x0;
	s24 =	sand.u32 $0x3F00, s18;
	s31 =	sor.u32 s23, s31;
	vm9 =	veq.s32 v17, v2;
	v16 =	vand.u32 $0x3FFFFFFF, v13;
	v13 =	vld [tilespmem:s15+$0xC600]  }
0x10c: {  	vm15 =	veq.s32 v17, v1;
	s13 =	sor.u32 s13, s24;
	v17 =	vld [tilespmem:s31+$0xC600];
	vm11 =	veq.s32 v16, v2;
	vm1 =	veq.s32 v16, v1  }
0x10d: {  	s8 =	sadd.s32 $0x60, s18;
	vm14 =	vmand vm14, vm9;
	v7 =	vld [tilespmem:s13+$0xC580];
	vm1 =	vmand vm10, vm1;
	vm0 =	vmand vm0, vm11  }
0x10e: {  	s14 =	sand.u32 $0x70, s14;
	s8 =	sand.u32 $0x7F00, s8;
	vm0 =	vmor vm1, vm0;
	vm1 =	vmor vm7, vm9;
	vm9 =	vnez.u8 v5;
	v5 =	vld [tilespmem:$0x1FFF0]  }
0x10f: {  	s8 =	sor.u32 s14, s8;
	vm3 =	vmxor vm3, vm8;
	v9 =	vand.u32 $0x40000000, v9;
	vm15 =	vmand vm7, vm15;
	v11 =	vld [tilespmem:s13+$0xC600]  }
0x110: {  	v19 =	vld [tilespmem:s8+$0xC580];
	v10 =	vand.u32 $0x40000000, v10;
	vm12 =	vmor vm15, vm14;
	vm4 =	vmor vm10, vm11  }
0x111: {  	v16 =	vld [tilespmem:s31+$0xC580];
	vm7 =	vne.s32 v10, $0x0;
	vm1 =	vmxor vm1, vm12;
	vm0 =	vmxor vm4, vm0  }
0x112: {  	vm2 =	vmand vm9, vm2;
	vm4 =	vne.s32 v9, $0x0;
	vm3 =	vmand vm9, vm3;
	v14 =	vld.idx.msk [tilespmem:v14+s12+$0x0], $0xffff  }
0x113: {  	vm1 =	vmand vm9, vm1;
	vm0 =	vmand vm9, vm0;
	v15 =	vld.idx.msk [tilespmem:v15+s12+$0x0], $0xffff;
	vm8 =	vnez.u8 v5  }
0x114: {  	v20 =	vld [tilespmem:s8+$0xC600];
	vm5 =	vmand vm8, vm5;
	vm6 =	vmand vm8, vm6;
	vm4 =	vmand vm8, vm4  }
0x115: {  	v6 =	vld.idx.msk [tilespmem:v12+s12+$0x0], $0xffff;
	vm2 =	vmor vm5, vm2;
	vm3 =	vmor vm6, vm3;
	vm5 =	vmand vm8, vm7  }
0x116: {  	v5 =	vld.idx.msk [tilespmem:v7+s12+$0x0], $0xffff;
	vm1 =	vmor vm4, vm1;
	v3 =	vnsel vm2, $0xCE6E6B28, v3;
	vm0 =	vmor vm5, vm0  }
0x117: {  	v7 =	vld.idx.msk [tilespmem:v11+s12+$0x0], $0xffff;
	[tilespmem:s9+$0xFFFFFFE0] =	vst v3;
	v3 =	vnsel vm3, $0xCE6E6B28, v4;
	v4 =	vnsel vm1, $0xCE6E6B28, v8;
	v11 =	vand.u32 $0x3FFFFFFF, v14  }
0x118: {  	v9 =	vld.idx.msk [tilespmem:v13+s12+$0x0], $0xffff;
	v8 =	vand.u32 $0x3FFFFFFF, v15;
	[tilespmem:s9+$0xFFFFFFF0] =	vst v3;
	v3 =	vnsel vm0, $0xCE6E6B28, v18;
	vm1 =	veq.s32 v11, v2  }
0x119: {  	s7 =	sadd.s32 $0x50, s7;
	v10 =	vld.idx.msk [tilespmem:v16+s12+$0x0], $0xffff;
	vm0 =	veq.s32 v8, v2;
	vm2 =	veq.s32 v11, v1;
	vm3 =	veq.s32 v8, v1  }
0x11a: {  	v12 =	vor.u32 v14, v15;
	[tilespmem:s9+$0x0] =	vst v4;
	v8 =	vld [tilespmem:s7+$0x20];
	vm3 =	vmand vm1, vm3;
	vm2 =	vmand vm2, vm0  }
0x11b: {  	p2 =	slt.u32 s21, $0x18B0;
	v11 =	vld.idx.msk [tilespmem:v17+s12+$0x0], $0xffff;
	v4 =	vand.u32 $0x40000000, v12;
	vm0 =	vmor vm1, vm0;
	vm1 =	vmor vm3, vm2  }
.Ltmp7:
0x11c: {  	v15 =	vand.u32 $0x3FFFFFFF, v6;
	[tilespmem:s9+$0x10] =	vst v3;
	v3 =	vld [tilespmem:s7+$0xFFFFFFE0];
	vm0 =	vmxor vm0, vm1;
	vm1 =	vne.s32 v4, $0x0;
	(pc) =	sbr.rel @p2 .LBB2_7-.Ltmp7, $4  }
0x11d: {  	v16 =	vand.u32 $0x3FFFFFFF, v9;
	v12 =	vld.idx.msk [tilespmem:v19+s12+$0x0], $0xffff;
	vm0 =	vmand vm9, vm0;
	vm1 =	vmand vm8, vm1  }
0x11e: {  	v17 =	vand.u32 $0x3FFFFFFF, v5;
	v18 =	vand.u32 $0x3FFFFFFF, v7;
	v13 =	vld.idx.msk [tilespmem:v20+s12+$0x0], $0xffff;
	vm0 =	vmor vm1, vm0  }
0x11f: {  	v14 =	vand.u32 $0x3FFFFFFF, v10;
	s9 =	sadd.s32 $0x50, s9;
	vm6 =	veq.s32 v17, v1;
	v4 =	vld [tilespmem:s7+$0xFFFFFFF0];
	v19 =	vnsel vm0, $0xCE6E6B28, v8  }
0x120: {  	vm2 =	veq.s32 v17, v2;
	vm3 =	veq.s32 v18, v2;
	vm8 =	veq.s32 v18, v1;
	v8 =	vld [tilespmem:s7+$0x0];
	[tilespmem:s9+$0x20] =	vst v19  }
0x121: {  	vm0 =	veq.s32 v15, v2;
	vm1 =	veq.s32 v16, v2  }
0x122: {  	v17 =	vand.u32 $0x3FFFFFFF, v11;
	vm4 =	veq.s32 v15, v1;
	vm5 =	veq.s32 v16, v1  }
0x123: {  	vm7 =	veq.s32 v14, v2;
	vm10 =	veq.s32 v14, v1;
	v61 =	vand.u32 $0x3FFFFFFF, v12  }
0x124: {  	vm9 =	veq.s32 v17, v2;
	vm11 =	veq.s32 v17, v1;
	v62 =	vand.u32 $0x3FFFFFFF, v13  }
0x125: {  	vm14 =	veq.s32 v61, v1;
	vm15 =	veq.s32 v62, v1;
	v1 =	vor.u32 v5, v7  }
0x126: {  	vm12 =	veq.s32 v61, v2;
	vm10 =	vmand vm10, vm9;
	v1 =	vand.u32 $0x40000000, v1  }
0x127: {  	vm13 =	vmand vm12, vm15;
	vm15 =	vmor vm7, vm9;
	vm9 =	vne.s32 v1, $0x0;
	v1 =	vld [tilespmem:$0x1FFE0]  }
0x128: {  	vm8 =	vmand vm2, vm8;
	vm6 =	vmand vm6, vm3;
	vm2 =	vmor vm2, vm3  }
0x129: {  	vm6 =	vmor vm8, vm6;
	vm5 =	vmand vm0, vm5;
	vm4 =	vmand vm4, vm1  }
0x12a: {  	vm0 =	vmor vm0, vm1;
	vm11 =	vmand vm7, vm11;
	vm4 =	vmor vm5, vm4  }
0x12b: {  	vm8 =	veq.s32 v62, v2;
	vm10 =	vmor vm11, vm10;
	v2 =	vor.u32 v6, v9  }
0x12c: {  	vm3 =	vmxor vm15, vm10;
	vm10 =	vnez.u8 v1;
	v1 =	vand.u32 $0x40000000, v2;
	v2 =	vld [tilespmem:$0x1FFF0]  }
0x12d: {  	vm2 =	vmxor vm2, vm6;
	v63 =	vor.u32 v12, v13;
	vm5 =	vmand vm14, vm8  }
0x12e: {  	v5 =	vand.u32 $0x40000000, v63;
	vm8 =	vmor vm12, vm8;
	vm14 =	vmor vm13, vm5  }
0x12f: {  	vm0 =	vmxor vm0, vm4;
	vm1 =	vmxor vm8, vm14;
	vm14 =	vne.s32 v5, $0x0  }
0x130: {  	vm2 =	vmand vm10, vm2;
	vm0 =	vmand vm10, vm0;
	vm3 =	vmand vm10, vm3  }
0x131: {  	vm1 =	vmand vm10, vm1;
	vm11 =	vnez.u8 v2;
	v2 =	vor.u32 v10, v11  }
0x132: {  	vm12 =	vne.s32 v1, $0x0;
	v1 =	vld [tilespmem:s7+$0x10];
	vm4 =	vmand vm11, vm9;
	v2 =	vand.u32 $0x40000000, v2  }
0x133: {  	vm2 =	vmor vm4, vm2;
	vm4 =	vmand vm11, vm12;
	vm13 =	vne.s32 v2, $0x0  }
0x134: {  	vm0 =	vmor vm4, vm0;
	v2 =	vnsel vm2, $0xCE6E6B28, v3;
	vm4 =	vmand vm11, vm13  }
0x135: {  	vm2 =	vmand vm11, vm14;
	vm3 =	vmor vm4, vm3;
	v3 =	vnsel vm0, $0xCE6E6B28, v4;
	[tilespmem:s9+$0xFFFFFFE0] =	vst v2  }
0x136: {  	vm15 =	vmor vm2, vm1;
	v2 =	vnsel vm3, $0xCE6E6B28, v8;
	[tilespmem:s9+$0xFFFFFFF0] =	vst v3  }
0x137: {  	v1 =	vnsel vm15, $0xCE6E6B28, v1;
	[tilespmem:s9+$0x0] =	vst v2  }
0x138: {  	[tilespmem:s9+$0x10] =	vst v1  }
.LBB2_9:
.Ltmp8:
0x139: {  	(pc) =	sbr.rel @p1 .LBB2_18-.Ltmp8, $3  }
0x13a: {  	s6 =	smul.u32 $0x320, s6;
	_ =	sdelay $0x1  }
0x13b: {  	s6 =	sadd.s32 s10, s6  }
0x13c: {  	[hbm4b:s6+s12] =	stream.linear.scatter [tilespmem:s28], [sflag:$0x3], $0x1900, $0x38;
	[tilespmem:$0x1BF80] =	vst v63  }
0x13d: {  	s4 =	sadd.s32 s16, s4  }
0x13e: {  	p1 =	sgt.u32 s4, $0xF9  }
0x13f: {  	s6 =	smul.u32 @!p1 $0x320, s4  }
0x140: {  	s8 =	simm.s32 @!p1 $0x0  }
0x141: {  	s9 =	simm.s32 @!p1 $0x11080;
	s4 =	smul.u32 @!p1 $0x640, s4;
	s7 =	sadd.s32 @!p1 s0, s6  }
0x142: {  	[tilespmem:s9], [sflag:$0x1] =	stream.linear.gather @!p1 [hbm4b:s7+s8], $0x1900, $0x38;
	[tilespmem:$0x1BF80] =	vst v63  }
0x143: {  	s4 =	sadd.s32 @!p1 s1, s4;
	s7 =	simm.s32 @!p1 $0xC580  }
0x144: {  	[tilespmem:s7], [sflag:$0x1] =	stream.linear.gather @!p1 [hbm4b:s4+s8], $0x3200, $0x38;
	[tilespmem:$0x1BF80] =	vst v63  }
0x145: {  	s4 =	sadd.s32 @!p1 s2, s6;
	s6 =	simm.s32 @!p1 $0xF780  }
0x146: {  	[tilespmem:s6], [sflag:$0x1] =	stream.linear.gather @!p1 [hbm4b:s4+s8], $0x1900, $0x38;
	[tilespmem:$0x1BF80] =	vst v63  }
0x147: {  	_ =	swait.ge [sflag:s29], $0x1900  }
0x148: {  	[sflag:s29] =	ssyncset.done $0x0  }
0x149: {  	[sflag:s29] =	ssyncadd.s32 $0xFFFFE700  }
0x14a: {  	_ =	swait.ge [sflag:s29], $0x3200  }
0x14b: {  	[sflag:s29] =	ssyncset.done $0x0  }
0x14c: {  	[sflag:s29] =	ssyncadd.s32 $0xFFFFCE00  }
0x14d: {  	_ =	swait.ge [sflag:s29], $0x1900  }
0x14e: {  	[sflag:s29] =	ssyncset.done $0x0  }
0x14f: {  	s4 =	simm.s32 @!p0 $0x4;
	[sflag:s29] =	ssyncadd.s32 $0xFFFFE700  }
0x150: {  	_ =	swait.ge @!p0 [sflag:s4], $0x1900  }
0x151: {  	[sflag:s4] =	ssyncset.done @!p0 $0x0  }
0x152: {  	[sflag:s4] =	ssyncadd.s32 @!p0 $0xFFFFE700  }
0x153: {  	v1 =	vld [tilespmem:$0x15B80]  }
0x154: {  	v2 =	vld [tilespmem:$0x17470];
	_ =	sdelay $0x4  }
0x155: {  	vm0 =	veq.s32 v1, v2  }
0x156: {  	v2 =	vsel vm0, $0x3F800000, v0  }
0x157: {  	(xrf0) =	vmin.scan.msk.f32 $0xffff, v2;
	_ =	sdelay $0x5  }
0x158: {  	v2, _, _ =	vpop (xrf0)  }
0x159: {  	(v2sf) =	vpush v2, $0xF;
	_ =	sdelay $0xe  }
0x15a: {  	s31 =	spop (v2sf)  }
0x15b: {  	p0 =	sgt.f32 s31, $0.0e+00  }
.Ltmp9:
0x15c: {  	_ = 	snop;
	(pc) =	sbr.rel @p0 .LBB2_14-.Ltmp9, $1  }
0x15d: {  	_ =	sdelay $0x3  }
0x15e: {  	s8 =	simm.s32 $0x0  }
0x15f: {  	s9 =	simm.s32 $0x0;
	s6 =	simm.s32 $0x15B80;
	s13 =	sand.u32 $0x60, s8  }
0x160: {  	s9 =	sand.u32 $0x3F00, s9;
	s8 =	sand.u32 $0x1F80, s8;
	s14 =	sor.u32 $0x10, s13  }
0x161: {  	v1 =	vld [tilespmem:s6+$0x0];
	s24 =	sadd.s32 $0x12980, s9;
	s9 =	sor.u32 s8, s14  }
0x162: {  	s31 =	sor.u32 s14, s24;
	v2 =	vld [tilespmem:s9+$0x15B80]  }
0x163: {  	v3 =	vld [tilespmem:s31+$0x0]  }
0x164: {  	s6 =	sor.u32 s13, s24;
	v4 =	vld [tilespmem:s31+$0x80]  }
0x165: {  	s14 =	simm.s32 $0x20;
	v5 =	vld [tilespmem:s6+$0x0]  }
0x166: {  	s17 =	simm.s32 $0x40;
	s13 =	simm.s32 $0x15BA0;
	v6 =	vld [tilespmem:s6+$0x80];
	s15 =	sand.u32 $0x60, s14  }
0x167: {  	v7 =	vld [tilespmem:s13+$0x0];
	s13 =	sand.u32 $0x3F00, s17;
	s6 =	sand.u32 $0x1F80, s14;
	s18 =	sor.u32 $0x10, s15  }
0x168: {  	s13 =	sadd.s32 $0x12980, s13;
	s6 =	sor.u32 s6, s18  }
0x169: {  	s14 =	sor.u32 s18, s13;
	v13 =	vld [tilespmem:s6+$0x15B80]  }
0x16a: {  	v16 =	vld [tilespmem:s14+$0x0]  }
0x16b: {  	v8 =	vld.idx.msk [tilespmem:v1+s19+$0x0], $0xffff  }
0x16c: {  	v9 =	vld.idx.msk [tilespmem:v2+s19+$0x0], $0xffff  }
0x16d: {  	v3 =	vld.idx.msk [tilespmem:v3+s12+$0x0], $0xffff  }
0x16e: {  	v4 =	vld.idx.msk [tilespmem:v4+s12+$0x0], $0xffff  }
0x16f: {  	v2 =	vld.idx.msk [tilespmem:v2+s20+$0x0], $0xffff  }
0x170: {  	v6 =	vld.idx.msk [tilespmem:v6+s12+$0x0], $0xffff  }
0x171: {  	v5 =	vld.idx.msk [tilespmem:v5+s12+$0x0], $0xffff  }
0x172: {  	v10 =	vld.idx.msk [tilespmem:v1+s20+$0x0], $0xffff;
	v14 =	vand.u32 $0x3FFFFFFF, v8  }
0x173: {  	v11 =	vld [tilespmem:s9+$0x17480];
	vm14 =	vgt.s32 v8, $0x3FFFFFFF;
	v1 =	vand.u32 $0x3FFFFFFF, v9;
	v12 =	vand.u32 $0x3FFFFFFF, v3  }
0x174: {  	v16 =	vld.idx.msk [tilespmem:v16+s12+$0x0], $0xffff;
	v15 =	vand.u32 $0x3FFFFFFF, v4;
	vm0 =	vgt.s32 v9, $0x3FFFFFFF;
	v3 =	vor.u32 v3, v4  }
0x175: {  	v17 =	vand.u32 $0x3FFFFFFF, v6;
	vm1 =	veq.s32 v12, v1;
	vm3 =	veq.s32 v12, v2;
	v12 =	vld [tilespmem:s14+$0x80]  }
0x176: {  	s8 =	sor.u32 s15, s13;
	v8 =	vld.idx.msk [tilespmem:v13+s20+$0x0], $0xffff;
	vm2 =	veq.s32 v15, v1;
	vm4 =	veq.s32 v15, v2;
	v2 =	vand.u32 $0x3FFFFFFF, v5  }
0x177: {  	v9 =	vld [tilespmem:s8+$0x0];
	vm5 =	veq.s32 v17, v10;
	v3 =	vand.u32 $0x40000000, v3;
	v5 =	vor.u32 v5, v6  }
0x178: {  	s7 =	simm.s32 $0x17480;
	v4 =	vld [tilespmem:s8+$0x80];
	vm4 =	vmand vm1, vm4;
	vm3 =	vmand vm3, vm2;
	vm1 =	vmor vm1, vm2  }
0x179: {  	s21 =	simm.s32 $0x15BC0;
	v15 =	vld [tilespmem:s7+$0x0];
	vm12 =	veq.s32 v2, v10;
	vm13 =	vne.s32 v3, $0x0;
	vm2 =	vmor vm4, vm3  }
0x17a: {  	v1 =	vld [tilespmem:s21+$0x0];
	v3 =	vand.u32 $0x40000000, v5;
	vm1 =	vmxor vm1, vm2;
	vm2 =	vmneg vm0  }
0x17b: {  	s18 =	simm.s32 $0x40;
	vm3 =	veq.s32 v17, v14;
	vm1 =	vmand vm2, vm1;
	vm2 =	veq.s32 v2, v14;
	v2 =	vld.idx.msk [tilespmem:v7+s19+$0x0], $0xffff  }
0x17c: {  	s22 =	sand.u32 $0x60, s18;
	vm4 =	vmand vm12, vm3;
	v14 =	vld.idx.msk [tilespmem:v13+s19+$0x0], $0xffff;
	vm3 =	vmor vm2, vm3;
	vm2 =	vmand vm2, vm5  }
0x17d: {  	s31 =	sand.u32 $0x1F80, s18;
	s24 =	sor.u32 $0x10, s22;
	vm6 =	vne.s32 v3, $0x0;
	vm2 =	vmor vm2, vm4;
	v63 =	vld.idx.msk [tilespmem:v12+s12+$0x0], $0xffff  }
0x17e: {  	s7 =	sor.u32 s31, s24;
	v6 =	vld [tilespmem:s6+$0x17480];
	vm0 =	vmand vm0, vm13;
	vm2 =	vmxor vm3, vm2;
	vm3 =	vmneg vm14  }
0x17f: {  	s21 =	simm.s32 $0x80;
	v5 =	vld [tilespmem:s7+$0x15B80];
	vm0 =	vmor vm0, vm1;
	vm4 =	vmand vm14, vm6;
	vm2 =	vmand vm3, vm2  }
0x180: {  	s23 =	sand.u32 $0x3F00, s21;
	v3 =	vld.idx.msk [tilespmem:v9+s12+$0x0], $0xffff;
	v9 =	vnsel vm0, $0xCE6E6B28, v11;
	vm1 =	vmor vm4, vm2;
	v10 =	vand.u32 $0x3FFFFFFF, v2  }
0x181: {  	s15 =	sadd.s32 $0x12980, s23;
	v7 =	vld.idx.msk [tilespmem:v7+s20+$0x0], $0xffff;
	v13 =	vand.u32 $0x3FFFFFFF, v14;
	v11 =	vnsel vm1, $0xCE6E6B28, v15;
	v15 =	vand.u32 $0x3FFFFFFF, v16  }
0x182: {  	s13 =	sor.u32 s24, s15;
	v4 =	vld.idx.msk [tilespmem:v4+s12+$0x0], $0xffff;
	vm1 =	vgt.s32 v14, $0x3FFFFFFF;
	vm0 =	veq.s32 v15, v13;
	v18 =	vand.u32 $0x3FFFFFFF, v63  }
0x183: {  	v12 =	vld [tilespmem:s13+$0x0];
	vm3 =	veq.s32 v15, v8;
	vm2 =	veq.s32 v18, v13;
	vm15 =	veq.s32 v18, v8  }
0x184: {  	s8 =	sor.u32 s22, s15;
	v14 =	vor.u32 v16, v63;
	v13 =	vld [tilespmem:s13+$0x80];
	vm4 =	vmand vm0, vm15;
	vm3 =	vmand vm3, vm2  }
0x185: {  	[tilespmem:s9+$0x1A680] =	vst v9;
	v9 =	vld [tilespmem:s8+$0x80];
	v14 =	vand.u32 $0x40000000, v14;
	vm0 =	vmor vm0, vm2;
	vm2 =	vmor vm4, vm3  }
0x186: {  	s4 =	simm.s32 $0x1A680;
	s9 =	simm.s32 $0x174A0;
	v8 =	vld [tilespmem:s8+$0x0];
	vm3 =	vmneg vm1;
	vm0 =	vmxor vm0, vm2;
	vm2 =	vne.s32 v14, $0x0  }
0x187: {  	s22 =	simm.s32 $0x15BE0;
	[tilespmem:s4+$0x0] =	vst v11;
	v11 =	vld [tilespmem:s9+$0x0];
	v14 =	vand.u32 $0x3FFFFFFF, v3;
	vm0 =	vmand vm3, vm0;
	vm1 =	vmand vm1, vm2  }
.LBB2_12:
0x188: {  	v15 =	vld [tilespmem:s22+$0x0];
	v16 =	vand.u32 $0x3FFFFFFF, v4;
	vm2 =	veq.s32 v14, v10;
	vm0 =	vmor vm1, vm0  }
0x189: {  	vm3 =	veq.s32 v14, v7;
	v17 =	vld.idx.msk [tilespmem:v1+s19+$0x0], $0xffff;
	vm1 =	veq.s32 v16, v10;
	v6 =	vnsel vm0, $0xCE6E6B28, v6  }
0x18a: {  	v3 =	vor.u32 v3, v4;
	vm0 =	veq.s32 v16, v7;
	v14 =	vld.idx.msk [tilespmem:v5+s19+$0x0], $0xffff;
	vm3 =	vmand vm3, vm1;
	[tilespmem:s6+$0x1A680] =	vst v6;
	s6 =	smov.u32 s7  }
0x18b: {  	v3 =	vand.u32 $0x40000000, v3;
	vm1 =	vmor vm2, vm1;
	vm0 =	vmand vm2, vm0;
	v16 =	vld.idx.msk [tilespmem:v12+s12+$0x0], $0xffff  }
0x18c: {  	vm2 =	vne.s32 v3, $0x0;
	vm0 =	vmor vm0, vm3;
	vm3 =	vgt.s32 v2, $0x3FFFFFFF;
	v18 =	vld.idx.msk [tilespmem:v13+s12+$0x0], $0xffff  }
0x18d: {  	vm0 =	vmxor vm1, vm0;
	vm1 =	vmneg vm3;
	vm2 =	vmand vm3, vm2;
	v13 =	vld.idx.msk [tilespmem:v5+s20+$0x0], $0xffff  }
0x18e: {  	s18 =	sadd.s32 $0x20, s18;
	vm0 =	vmand vm1, vm0;
	v3 =	vld.idx.msk [tilespmem:v8+s12+$0x0], $0xffff  }
0x18f: {  	s21 =	sadd.s32 $0x40, s21;
	s4 =	sadd.s32 $0x20, s4;
	s8 =	sand.u32 $0x60, s18;
	vm0 =	vmor vm2, vm0;
	v2 =	vmov v17;
	v4 =	vld.idx.msk [tilespmem:v9+s12+$0x0], $0xffff  }
0x190: {  	s14 =	sand.u32 $0x1F80, s18;
	s7 =	sand.u32 $0x3F00, s21;
	s13 =	sor.u32 $0x10, s8;
	v5 =	vnsel vm0, $0xCE6E6B28, v11;
	v7 =	vld.idx.msk [tilespmem:v1+s20+$0x0], $0xffff;
	v1 =	vmov v15  }
0x191: {  	p0 =	slt.u32 s18, $0x18E0;
	s15 =	sadd.s32 $0x12980, s7;
	s7 =	sor.u32 s14, s13;
	v10 =	vand.u32 $0x3FFFFFFF, v2;
	v8 =	vand.u32 $0x3FFFFFFF, v14;
	v9 =	vand.u32 $0x3FFFFFFF, v16;
	v6 =	vld [tilespmem:s6+$0x17480];
	[tilespmem:s4+$0x0] =	vst v5  }
0x192: {  	s8 =	sor.u32 s8, s15;
	s13 =	sor.u32 s13, s15;
	vm1 =	vgt.s32 v14, $0x3FFFFFFF;
	v11 =	vand.u32 $0x3FFFFFFF, v18;
	vm0 =	veq.s32 v9, v8;
	v5 =	vld [tilespmem:s7+$0x15B80]  }
.Ltmp10:
0x193: {  	vm2 =	veq.s32 v11, v8;
	vm3 =	veq.s32 v9, v13;
	vm4 =	veq.s32 v11, v13;
	v12 =	vld [tilespmem:s13+$0x0];
	(pc) =	sbr.rel @p0 .LBB2_12-.Ltmp10, $4  }
0x194: {  	v9 =	vor.u32 v16, v18;
	vm4 =	vmand vm0, vm4;
	vm3 =	vmand vm3, vm2;
	v13 =	vld [tilespmem:s13+$0x80]  }
0x195: {  	vm0 =	vmor vm0, vm2;
	v11 =	vand.u32 $0x40000000, v9;
	vm2 =	vmor vm4, vm3;
	v8 =	vld [tilespmem:s8+$0x0]  }
0x196: {  	s9 =	sadd.s32 $0x20, s9;
	vm3 =	vmneg vm1;
	vm0 =	vmxor vm0, vm2;
	vm2 =	vne.s32 v11, $0x0;
	v9 =	vld [tilespmem:s8+$0x80]  }
0x197: {  	s22 =	sadd.s32 $0x20, s22;
	v14 =	vand.u32 $0x3FFFFFFF, v3;
	vm0 =	vmand vm3, vm0;
	vm1 =	vmand vm1, vm2;
	v11 =	vld [tilespmem:s9+$0x0]  }
0x198: {  	_ =	sdelay $0x3  }
0x199: {  	v15 =	vand.u32 $0x3FFFFFFF, v4;
	vm2 =	veq.s32 v14, v10;
	vm4 =	veq.s32 v14, v7;
	v54 =	vld.idx.msk [tilespmem:v1+s19+$0x0], $0xffff  }
0x19a: {  	v3 =	vor.u32 v3, v4;
	v55 =	vld.idx.msk [tilespmem:v5+s19+$0x0], $0xffff;
	vm11 =	vgt.s32 v2, $0x3FFFFFFF;
	vm0 =	vmor vm1, vm0  }
0x19b: {  	v56 =	vld.idx.msk [tilespmem:v12+s12+$0x0], $0xffff;
	vm3 =	veq.s32 v15, v10;
	vm5 =	veq.s32 v15, v7;
	v3 =	vand.u32 $0x40000000, v3  }
0x19c: {  	v2 =	vld.idx.msk [tilespmem:v13+s12+$0x0], $0xffff;
	vm4 =	vmand vm4, vm3;
	vm3 =	vmor vm2, vm3;
	vm2 =	vmand vm2, vm5  }
0x19d: {  	vm13 =	vmneg vm11;
	vm12 =	vne.s32 v3, $0x0;
	v3 =	vld.idx.msk [tilespmem:v5+s20+$0x0], $0xffff;
	vm2 =	vmor vm2, vm4  }
0x19e: {  	v57 =	vnsel vm0, $0xCE6E6B28, v6;
	vm4 =	vmand vm11, vm12;
	vm2 =	vmxor vm3, vm2  }
0x19f: {  	v8 =	vld.idx.msk [tilespmem:v8+s12+$0x0], $0xffff;
	vm2 =	vmand vm13, vm2;
	v59 =	vand.u32 $0x3FFFFFFF, v54;
	v60 =	vand.u32 $0x3FFFFFFF, v55  }
0x1a0: {  	v9 =	vld.idx.msk [tilespmem:v9+s12+$0x0], $0xffff;
	v61 =	vand.u32 $0x3FFFFFFF, v56;
	vm8 =	vgt.s32 v55, $0x3FFFFFFF;
	vm14 =	vmor vm4, vm2  }
0x1a1: {  	v62 =	vand.u32 $0x3FFFFFFF, v2;
	vm15 =	veq.s32 v61, v60;
	v2 =	vor.u32 v56, v2  }
0x1a2: {  	v1 =	vld.idx.msk [tilespmem:v1+s20+$0x0], $0xffff;
	v58 =	vnsel vm14, $0xCE6E6B28, v11;
	vm9 =	veq.s32 v62, v60;
	vm10 =	veq.s32 v61, v3  }
0x1a3: {  	vm11 =	veq.s32 v62, v3;
	v2 =	vand.u32 $0x40000000, v2;
	vm14 =	vmneg vm8  }
0x1a4: {  	vm4 =	vmand vm15, vm11;
	vm3 =	vmand vm10, vm9;
	vm0 =	vmor vm15, vm9  }
0x1a5: {  	vm13 =	vne.s32 v2, $0x0;
	v2 =	vand.u32 $0x3FFFFFFF, v8;
	v3 =	vand.u32 $0x3FFFFFFF, v9  }
0x1a6: {  	vm11 =	vgt.s32 v54, $0x3FFFFFFF;
	vm12 =	vmor vm4, vm3;
	vm1 =	vmand vm8, vm13  }
0x1a7: {  	vm15 =	veq.s32 v3, v59;
	vm8 =	veq.s32 v2, v1;
	vm9 =	veq.s32 v2, v59  }
0x1a8: {  	v63 =	vld [tilespmem:s7+$0x17480];
	s8 =	sadd.s32 $0x20, s9;
	vm10 =	veq.s32 v3, v1;
	v2 =	vor.u32 v8, v9;
	vm13 =	vmneg vm11  }
0x1a9: {  	v1 =	vld [tilespmem:s8+$0x0];
	vm0 =	vmxor vm0, vm12;
	vm3 =	vmand vm8, vm15;
	vm4 =	vmand vm9, vm10  }
0x1aa: {  	vm2 =	vmor vm9, vm15;
	v2 =	vand.u32 $0x40000000, v2;
	vm3 =	vmor vm4, vm3  }
.Ltmp11:
0x1ab: {  	vm0 =	vmand vm14, vm0;
	vm12 =	vne.s32 v2, $0x0;
	vm2 =	vmxor vm2, vm3;
	(pc) =	sbr.rel .LBB2_17-.Ltmp11, $4  }
0x1ac: {  	s4 =	sadd.s32 $0x20, s4;
	[tilespmem:s6+$0x1A680] =	vst v57;
	vm0 =	vmor vm1, vm0;
	vm14 =	vmand vm11, vm12;
	vm2 =	vmand vm13, vm2  }
0x1ad: {  	[tilespmem:s4+$0x0] =	vst v58;
	v2 =	vnsel vm0, $0xCE6E6B28, v63;
	vm15 =	vmor vm14, vm2  }
0x1ae: {  	s4 =	sadd.s32 $0x20, s4;
	[tilespmem:s7+$0x1A680] =	vst v2;
	v1 =	vnsel vm15, $0xCE6E6B28, v1  }
0x1af: {  	[tilespmem:s4+$0x0] =	vst v1  }
.LBB2_14:
0x1b0: {  	_ =	sdelay $0x1  }
0x1b1: {  	s4 =	simm.s32 $0x0;
	s6 =	simm.s32 $0x0;
	s7 =	simm.s32 $0x10  }
0x1b2: {  	s8 =	simm.s32 $0x20;
	s14 =	simm.s32 $0x40;
	s15 =	simm.s32 $0x80  }
0x1b3: {  	s13 =	simm.s32 $0x30;
	v3 =	vld.idx.msk [tilespmem:v1+s19+$0x0], $0xffff;
	s14 =	sand.u32 $0x70, s14;
	s15 =	sand.u32 $0x7F00, s15  }
0x1b4: {  	v1 =	vld.idx.msk [tilespmem:v1+s20+$0x0], $0xffff;
	s17 =	simm.s32 $0x20;
	s24 =	simm.s32 $0x40;
	s14 =	sor.u32 s14, s15  }
0x1b5: {  	s7 =	sand.u32 $0x70, s7;
	s17 =	sand.u32 $0x7F00, s17;
	s18 =	sadd.s32 $0x12980, s14;
	v2 =	vld [tilespmem:s14+$0x12980]  }
0x1b6: {  	s9 =	sand.u32 $0x70, s6;
	s21 =	sand.u32 $0x3F00, s4;
	s7 =	sor.u32 s7, s17;
	v4 =	vld [tilespmem:s18+$0x80]  }
0x1b7: {  	s31 =	simm.s32 $0x60;
	s8 =	sand.u32 $0x70, s8;
	s9 =	sor.u32 s9, s21;
	v5 =	vld [tilespmem:s7+$0x12980]  }
0x1b8: {  	s13 =	sand.u32 $0x70, s13;
	s15 =	sand.u32 $0x7F00, s24;
	s23 =	sadd.s32 $0x12980, s9;
	v11 =	vld [tilespmem:s9+$0x12980]  }
0x1b9: {  	s22 =	sand.u32 $0x7F00, s31;
	s17 =	sadd.s32 $0x12980, s7;
	s8 =	sor.u32 s8, s15;
	v7 =	vld [tilespmem:s23+$0x80]  }
0x1ba: {  	s7 =	sor.u32 s13, s22;
	v6 =	vld [tilespmem:s17+$0x80];
	s24 =	sadd.s32 $0x12980, s8  }
0x1bb: {  	s31 =	sadd.s32 $0x12980, s7;
	v9 =	vld [tilespmem:s24+$0x80]  }
0x1bc: {  	v10 =	vld [tilespmem:s31+$0x80]  }
0x1bd: {  	v12 =	vld.idx.msk [tilespmem:v2+s12+$0x0], $0xffff  }
0x1be: {  	v13 =	vld.idx.msk [tilespmem:v4+s12+$0x0], $0xffff  }
0x1bf: {  	v14 =	vld [tilespmem:s8+$0x12980]  }
0x1c0: {  	v15 =	vld [tilespmem:s7+$0x12980]  }
0x1c1: {  	v8 =	vld.idx.msk [tilespmem:v7+s12+$0x0], $0xffff  }
0x1c2: {  	vm0 =	vgt.s32 v3, $0x3FFFFFFF;
	v2 =	vand.u32 $0x3FFFFFFF, v3;
	v6 =	vld.idx.msk [tilespmem:v6+s12+$0x0], $0xffff;
	v3 =	vand.u32 $0x3FFFFFFF, v12  }
0x1c3: {  	vm1 =	vmneg vm0;
	v4 =	vld.idx.msk [tilespmem:v9+s12+$0x0], $0xffff;
	v9 =	vand.u32 $0x3FFFFFFF, v13;
	vm2 =	veq.s32 v3, v2  }
0x1c4: {  	v7 =	vld.idx.msk [tilespmem:v10+s12+$0x0], $0xffff;
	vm4 =	veq.s32 v3, v1;
	vm3 =	veq.s32 v9, v2;
	vm5 =	veq.s32 v9, v1  }
0x1c5: {  	v10 =	vld.idx.msk [tilespmem:v11+s12+$0x0], $0xffff;
	v3 =	vor.u32 v12, v13;
	vm5 =	vmand vm2, vm5;
	vm4 =	vmand vm4, vm3  }
0x1c6: {  	v11 =	vld.idx.msk [tilespmem:v5+s12+$0x0], $0xffff;
	v3 =	vand.u32 $0x40000000, v3;
	vm2 =	vmor vm2, vm3;
	vm3 =	vmor vm5, vm4  }
0x1c7: {  	s7 =	simm.s32 $0x174A0;
	v12 =	vld.idx.msk [tilespmem:v14+s12+$0x0], $0xffff;
	vm2 =	vmxor vm2, vm3;
	vm3 =	vne.s32 v3, $0x0;
	v3 =	vimm.s32 $0x0  }
0x1c8: {  	v9 =	vld [tilespmem:s7+$0x20];
	v3 =	vsel vm1, $0xFFFFFFFF, v3  }
0x1c9: {  	v13 =	vld.idx.msk [tilespmem:v15+s12+$0x0], $0xffff;
	[tilespmem:$0x1FFC0] =	vst v3;
	v3 =	vimm.s32 $0x0  }
0x1ca: {  	v17 =	vand.u32 $0x3FFFFFFF, v8;
	v3 =	vsel vm0, $0xFFFFFFFF, v3  }
0x1cb: {  	v18 =	vand.u32 $0x3FFFFFFF, v6;
	vm2 =	vmand vm1, vm2;
	vm3 =	vmand vm0, vm3;
	[tilespmem:$0x1FFD0] =	vst v3  }
0x1cc: {  	s9 =	simm.s32 $0x1A6A0;
	v14 =	vand.u32 $0x3FFFFFFF, v4;
	v16 =	vand.u32 $0x3FFFFFFF, v7;
	vm3 =	vmor vm3, vm2;
	v3 =	vld [tilespmem:s7+$0xFFFFFFE0]  }
0x1cd: {  	v15 =	vand.u32 $0x3FFFFFFF, v10;
	vm7 =	veq.s32 v17, v1;
	v19 =	vnsel vm3, $0xCE6E6B28, v9;
	v5 =	vld [tilespmem:s7+$0xFFFFFFF0]  }
0x1ce: {  	vm6 =	veq.s32 v18, v1;
	vm2 =	veq.s32 v17, v2;
	vm3 =	veq.s32 v18, v2;
	v9 =	vld [tilespmem:s7+$0x0];
	[tilespmem:s9+$0x20] =	vst v19  }
.LBB2_15:
0x1cf: {  	v17 =	vand.u32 $0x3FFFFFFF, v11;
	vm4 =	veq.s32 v14, v2  }
0x1d0: {  	vm12 =	veq.s32 v14, v1;
	vm5 =	veq.s32 v16, v2;
	vm13 =	veq.s32 v16, v1  }
0x1d1: {  	s8 =	sadd.s32 $0x60, s6;
	s14 =	smov.u32 s6;
	vm8 =	veq.s32 v15, v2;
	vm14 =	veq.s32 v15, v1;
	v15 =	vand.u32 $0x3FFFFFFF, v13;
	s4 =	sadd.s32 $0xA0, s4  }
0x1d2: {  	v6 =	vor.u32 v11, v6;
	v4 =	vor.u32 v12, v4;
	s17 =	sadd.s32 $0x80, s14;
	s14 =	sadd.s32 $0x90, s14;
	s21 =	sadd.s32 $0x80, s4;
	vm10 =	veq.s32 v17, v2  }
0x1d3: {  	s18 =	sadd.s32 $0x20, s4;
	vm15 =	veq.s32 v17, v1;
	vm11 =	veq.s32 v15, v2;
	vm1 =	veq.s32 v15, v1;
	s14 =	sand.u32 $0x70, s14;
	s21 =	sand.u32 $0x7F00, s21  }
0x1d4: {  	v14 =	vld [tilespmem:s7+$0x10];
	s8 =	sand.u32 $0x70, s8;
	v6 =	vand.u32 $0x40000000, v6;
	v4 =	vand.u32 $0x40000000, v4;
	s18 =	sand.u32 $0x7F00, s18;
	vm6 =	vmand vm10, vm6;
	s14 =	sor.u32 s14, s21  }
0x1d5: {  	vm15 =	vmand vm15, vm3;
	vm13 =	vmand vm11, vm13;
	vm1 =	vmand vm1, vm5;
	s8 =	sor.u32 s8, s18;
	v15 =	vld [tilespmem:s14+$0x12980]  }
0x1d6: {  	s13 =	sadd.s32 $0x70, s6;
	s6 =	sadd.s32 $0x50, s6;
	vm3 =	vmor vm10, vm3;
	vm5 =	vmor vm11, vm5;
	vm6 =	vmor vm6, vm15;
	v17 =	vld [tilespmem:s8+$0x12980]  }
0x1d7: {  	s15 =	sand.u32 $0x70, s6;
	s22 =	sadd.s32 $0x40, s4;
	vm1 =	vmor vm13, vm1;
	vm3 =	vmxor vm3, vm6;
	vm6 =	vne.s32 v6, $0x0;
	v6 =	vld [tilespmem:$0x1FFC0]  }
0x1d8: {  	s13 =	sand.u32 $0x70, s13;
	s21 =	sand.u32 $0x7F00, s22;
	s24 =	sadd.s32 $0x12980, s14;
	vm1 =	vmxor vm5, vm1;
	vm5 =	vne.s32 v4, $0x0;
	v4 =	vld [tilespmem:$0x1FFD0]  }
0x1d9: {  	v18 =	vand.u32 $0x3FFFFFFF, v12;
	s31 =	sand.u32 $0x3F00, s4;
	s13 =	sor.u32 s13, s21;
	s21 =	sadd.s32 $0x12980, s8;
	v16 =	vld [tilespmem:s24+$0x80]  }
0x1da: {  	v8 =	vor.u32 v10, v8;
	v7 =	vor.u32 v13, v7;
	vm9 =	veq.s32 v18, v2;
	s23 =	sadd.s32 $0x60, s4;
	s14 =	sor.u32 s15, s31;
	v10 =	vld [tilespmem:s21+$0x80]  }
0x1db: {  	vm0 =	veq.s32 v18, v1;
	vm7 =	vmand vm8, vm7;
	vm14 =	vmand vm14, vm2;
	s17 =	sand.u32 $0x70, s17;
	s22 =	sand.u32 $0x7F00, s23;
	s23 =	sadd.s32 $0x12980, s14;
	v18 =	vld [tilespmem:s14+$0x12980]  }
0x1dc: {  	vm2 =	vmor vm8, vm2;
	v8 =	vand.u32 $0x40000000, v8;
	v7 =	vand.u32 $0x40000000, v7;
	s22 =	sor.u32 s17, s22;
	s24 =	sadd.s32 $0x12980, s13;
	v11 =	vld [tilespmem:s23+$0x80]  }
0x1dd: {  	vm12 =	vmand vm9, vm12;
	vm0 =	vmand vm0, vm4;
	vm7 =	vmor vm7, vm14;
	s31 =	sadd.s32 $0x12980, s22;
	v12 =	vld [tilespmem:s24+$0x80]  }
0x1de: {  	vm4 =	vmor vm9, vm4;
	vm0 =	vmor vm12, vm0;
	vm2 =	vmxor vm2, vm7;
	v13 =	vld [tilespmem:s31+$0x80]  }
0x1df: {  	vm7 =	vne.s32 v7, $0x0;
	vm0 =	vmxor vm4, vm0;
	v19 =	vld [tilespmem:s13+$0x12980];
	vm15 =	vnez.u8 v6  }
0x1e0: {  	vm4 =	vne.s32 v8, $0x0;
	vm8 =	vnez.u8 v4;
	vm2 =	vmand vm15, vm2;
	v15 =	vld.idx.msk [tilespmem:v15+s12+$0x0], $0xffff  }
0x1e1: {  	vm3 =	vmand vm15, vm3;
	vm0 =	vmand vm15, vm0;
	vm1 =	vmand vm15, vm1;
	v16 =	vld.idx.msk [tilespmem:v16+s12+$0x0], $0xffff  }
0x1e2: {  	v20 =	vld [tilespmem:s22+$0x12980];
	vm4 =	vmand vm8, vm4;
	vm6 =	vmand vm8, vm6;
	vm5 =	vmand vm8, vm5  }
0x1e3: {  	vm2 =	vmor vm4, vm2;
	vm3 =	vmor vm6, vm3;
	vm4 =	vmand vm8, vm7;
	v6 =	vld.idx.msk [tilespmem:v10+s12+$0x0], $0xffff  }
0x1e4: {  	vm0 =	vmor vm5, vm0;
	v3 =	vnsel vm2, $0xCE6E6B28, v3;
	vm1 =	vmor vm4, vm1;
	v8 =	vld.idx.msk [tilespmem:v11+s12+$0x0], $0xffff  }
0x1e5: {  	v4 =	vld.idx.msk [tilespmem:v12+s12+$0x0], $0xffff;
	[tilespmem:s9+$0xFFFFFFE0] =	vst v3;
	v3 =	vnsel vm3, $0xCE6E6B28, v5;
	v5 =	vnsel vm0, $0xCE6E6B28, v9;
	v11 =	vand.u32 $0x3FFFFFFF, v15  }
0x1e6: {  	v7 =	vld.idx.msk [tilespmem:v13+s12+$0x0], $0xffff;
	[tilespmem:s9+$0xFFFFFFF0] =	vst v3;
	v3 =	vnsel vm1, $0xCE6E6B28, v14;
	v9 =	vand.u32 $0x3FFFFFFF, v16;
	vm0 =	veq.s32 v11, v2  }
0x1e7: {  	s7 =	sadd.s32 $0x50, s7;
	v10 =	vld.idx.msk [tilespmem:v18+s12+$0x0], $0xffff;
	vm2 =	veq.s32 v11, v1;
	vm1 =	veq.s32 v9, v2;
	vm3 =	veq.s32 v9, v1  }
0x1e8: {  	[tilespmem:s9+$0x0] =	vst v5;
	v12 =	vor.u32 v15, v16;
	v9 =	vld [tilespmem:s7+$0x20];
	vm3 =	vmand vm0, vm3;
	vm2 =	vmand vm2, vm1  }
0x1e9: {  	p0 =	slt.u32 s6, $0x18B0;
	[tilespmem:s9+$0x10] =	vst v3;
	v3 =	vld [tilespmem:s7+$0xFFFFFFE0];
	v5 =	vand.u32 $0x40000000, v12;
	vm0 =	vmor vm0, vm1;
	vm1 =	vmor vm3, vm2  }
.Ltmp12:
0x1ea: {  	v13 =	vld.idx.msk [tilespmem:v20+s12+$0x0], $0xffff;
	v18 =	vand.u32 $0x3FFFFFFF, v6;
	vm0 =	vmxor vm0, vm1;
	vm1 =	vne.s32 v5, $0x0;
	(pc) =	sbr.rel @p0 .LBB2_15-.Ltmp12, $4  }
0x1eb: {  	v11 =	vld.idx.msk [tilespmem:v17+s12+$0x0], $0xffff;
	v17 =	vand.u32 $0x3FFFFFFF, v8;
	vm0 =	vmand vm15, vm0;
	vm1 =	vmand vm8, vm1  }
0x1ec: {  	v12 =	vld.idx.msk [tilespmem:v19+s12+$0x0], $0xffff;
	v14 =	vand.u32 $0x3FFFFFFF, v4;
	v16 =	vand.u32 $0x3FFFFFFF, v7;
	vm0 =	vmor vm1, vm0  }
0x1ed: {  	s9 =	sadd.s32 $0x50, s9;
	vm6 =	veq.s32 v18, v1;
	v15 =	vand.u32 $0x3FFFFFFF, v10;
	v5 =	vld [tilespmem:s7+$0xFFFFFFF0];
	v19 =	vnsel vm0, $0xCE6E6B28, v9  }
0x1ee: {  	vm7 =	veq.s32 v17, v1;
	vm2 =	veq.s32 v17, v2;
	vm3 =	veq.s32 v18, v2;
	v9 =	vld [tilespmem:s7+$0x0];
	[tilespmem:s9+$0x20] =	vst v19  }
.Ltmp13:
0x1ef: {  	_ = 	snop;
	(pc) =	sbr.rel .LBB2_16-.Ltmp13, $1  }
0x1f0: {  	_ =	sdelay $0x3  }
.LBB2_20:
0x1f1: {  	_ =	sfence.sel $0x180000  }
0x1f2: {  	[bflag:$0x0] =	sbarrier.arrive $0xFFFF  }
0x1f3: {  	_ =	strace $0x90000047  }
0x1f4: {  	s0 =	stileid.u32;
	[bflag:$0x2] =	sbarrier.arrive $0xFFFF  }
0x1f5: {  	p0 =	sne.s32 s0, $0x0;
	s0 =	rddreg [dreg:$0x9]  }
0x1f6: {  	s0 =	sadd.s32 @!p0 $0x100000, s0  }
0x1f7: {  	[sflag:s0] =	ssyncadd.tile.s32 @!p0 $0x1;
	_ =	shalt  }
.Lfunc_end2:
_tile_overlayer_lowered:
.L_overlay_start_2:
0x1f8: {  	(tag) =	ssettag $0x2  }
0x1f9: {  	s0 =	rddreg [dreg:$0x0];
	s2 =	stileid.u32  }
0x1fa: {  	s1 =	rddreg [dreg:$0x1];
	p0 =	sne.s32 s2, $0x0  }
0x1fb: {  	s3 =	rddreg [dreg:$0x2];
	[bflag:$0x3] =	sbarrier.arrive $0xFFFF;
	s2 =	simm.s32 @!p0 $0x1C05  }
0x1fc: {  	[timem:s3], [sflag:s2] =	dma.local @!p0 [hbm:s0], s1  }
0x1fd: {  	s0 =	simm.s32 @!p0 $0x5  }
0x1fe: {  	_ =	swait.ge @!p0 [sflag:s0], s1  }
0x1ff: {  	s1 =	ssub.s32 @!p0 $0x0, s1;
	[sflag:s0] =	ssyncset.done @!p0 $0x0  }
0x200: {  	[sflag:s0] =	ssyncadd.s32 @!p0 s1  }
0x201: {  	[bflag:$0x3] =	sbarrier.arrive $0xFFFF  }
0x202: {  	_ =	shalt  }

</sc_bundles>
